<compile_context>
chip_gen: v7x
topology: tpu7x:2x2x1
jax: 0.10.2.dev20260603
libtpu: 0.0.44.dev20260713+nightly
codegen_flags: <defaults>
</compile_context>

<pallas_src>
import jax
import jax.numpy as jnp
from jax.experimental import pallas as pl
from jax.experimental.pallas import tpu as pltpu
from jax.experimental.pallas import tpu_sc as plsc

_EMB = 128
_HID = 768
_GW = 128
_TB = 2048


def _sc_gather(token_table, ids):
    bsz, seq = ids.shape
    n = bsz * seq
    spr = seq // _GW
    mesh = plsc.VectorSubcoreMesh(core_axis_name="core",
                                  subcore_axis_name="subcore")

    @pl.kernel(out_type=jax.ShapeDtypeStruct((n, _EMB), token_table.dtype),
               mesh=mesh)
    def gk(tbl_hbm, i_hbm, o_hbm):
        def body(i_vmem, o_vmem):
            pltpu.sync_copy(tbl_hbm.at[i_vmem.at[0]], o_vmem)

        pltpu.emit_pipeline(
            body,
            grid=(n // _GW,),
            in_specs=[pl.BlockSpec((1, _GW), lambda i: (i // spr, i % spr))],
            out_specs=[pl.BlockSpec((_GW, _EMB), lambda i: (i, 0))],
            core_axis_name=("core", "subcore"),
            dimension_semantics=(pltpu.PARALLEL,),
        )(i_hbm, o_hbm)

    return gk(token_table, ids)


def _tc_body(g_ref, tt_ref, seg_ref, w_ref, b_ref, rw_ref, o_ref):
    i = pl.program_id(0)
    j = pl.program_id(1)
    seg0 = seg_ref[0:1, :]
    dseg = seg_ref[1:2, :] - seg0
    t_row = tt_ref[pl.ds(i, 1), pl.ds(j * _TB, _TB)]
    t_col = jnp.transpose(t_row.astype(jnp.float32))
    x = g_ref[...] + seg0 + t_col * dseg
    y = jax.lax.dot_general(
        x, w_ref[...], (((1,), (1,)), ((), ())),
        preferred_element_type=jnp.float32,
        precision=jax.lax.Precision.DEFAULT,
    ) + b_ref[...]
    var = jnp.mean(y * y, axis=-1, keepdims=True)
    o_ref[...] = y * jax.lax.rsqrt(var + 1e-6) * rw_ref[...]


def _tc_project(g, tt, seg_table, w, b, rw):
    n = g.shape[0]
    bsz, seq = tt.shape
    bpr = seq // _TB
    return pl.pallas_call(
        _tc_body,
        grid=(bsz, bpr),
        in_specs=[
            pl.BlockSpec((_TB, _EMB), lambda i, j: (i * bpr + j, 0)),
            pl.BlockSpec((bsz, seq), lambda i, j: (0, 0)),
            pl.BlockSpec((2, _EMB), lambda i, j: (0, 0)),
            pl.BlockSpec((_HID, _EMB), lambda i, j: (0, 0)),
            pl.BlockSpec((_HID,), lambda i, j: (0,)),
            pl.BlockSpec((_HID,), lambda i, j: (0,)),
        ],
        out_specs=pl.BlockSpec((_TB, _HID), lambda i, j: (i * bpr + j, 0)),
        out_shape=jax.ShapeDtypeStruct((n, _HID), jnp.float32),
    )(g, tt, seg_table, w, b, rw)


def kernel(input_ids, token_type_ids, token_table, seg_table, W, b, rms_weight):
    bsz, seq = input_ids.shape
    g = _sc_gather(token_table, input_ids)
    out = _tc_project(g, token_type_ids, seg_table, W, b, rms_weight)
    return out.reshape(bsz, seq, _HID)

# --- scband reference (transcript-rebuilt; emitter-appended) ---
"""Pipeline reference for scband-albert-embeddings-64742337020266 (READ-ONLY COPY).

The authoritative reference and input builder live on the scoring server;
editing this copy changes nothing except your own understanding.
"""

import jax, jax.numpy as jnp
import numpy as np

VOCAB = 100000
EMB = 128
HID = 768
TYPES = 2
B = 4
S = 2048


def setup_inputs(seed: int = 0) -> dict:
    key = jax.random.key(seed)
    k1, k2, k3, k4, k5 = jax.random.split(key, 5)
    input_ids = jax.random.randint(k1, (B, S), 0, VOCAB, dtype=jnp.int64 if jax.config.jax_enable_x64 else jnp.int32)
    token_type_ids = jax.random.randint(k2, (B, S), 0, TYPES, dtype=jnp.int64 if jax.config.jax_enable_x64 else jnp.int32)
    token_table = jax.random.normal(k3, (VOCAB, EMB), dtype=jnp.float32) * 0.02
    # padding_idx=0: torch zeros this row at init
    token_table = token_table.at[0].set(0.0)
    seg_table = jax.random.normal(k4, (TYPES, EMB), dtype=jnp.float32) * 0.02
    W = jax.random.normal(k5, (HID, EMB), dtype=jnp.float32) * (1.0 / np.sqrt(EMB))
    b = jnp.zeros((HID,), dtype=jnp.float32)
    rms_weight = jnp.ones((HID,), dtype=jnp.float32)
    return {
        "input_ids": input_ids,
        "token_type_ids": token_type_ids,
        "token_table": token_table,
        "seg_table": seg_table,
        "W": W,
        "b": b,
        "rms_weight": rms_weight,
    }


def _rmsnorm(x, w, eps=1e-6):
    var = jnp.mean(jnp.square(x), axis=-1, keepdims=True)
    return x * jax.lax.rsqrt(var + eps) * w


def reference(input_ids, token_type_ids, token_table, seg_table, W, b, rms_weight):
    # Embedding lookups (SparseCore gather)
    token_embeds = jnp.take(token_table, input_ids, axis=0)
    segment_embeds = jnp.take(seg_table, token_type_ids, axis=0)
    embeddings = token_embeds + segment_embeds
    # Linear: embedding_size -> hidden_size
    projected = jnp.einsum('bse,he->bsh', embeddings, W) + b
    # RMSNorm
    normalized = _rmsnorm(projected, rms_weight)
    # Dropout is identity in eval mode (p effectively 0)
    return normalized

if __name__ == "__main__":
    import jax
    _d = setup_inputs()
    print(jax.jit(kernel)(*tuple(_d.values())))

</pallas_src>

<mosaic_0001>
#map = affine_map<(d0, d1) -> (0, 0)>
module attributes {stable_mosaic.version = 14 : i64} {
  func.func @gk(%arg0: i32, %arg1: i32, %arg2: memref<100000x128xf32, #tpu.memory_space<hbm>>, %arg3: memref<4x2048xi32, #tpu.memory_space<hbm>>, %arg4: memref<8192x128xf32, #tpu.memory_space<hbm>>) attributes {dimension_semantics = [#tpu.dimension_semantics<core_parallel>, #tpu.dimension_semantics<subcore_parallel>], iteration_bounds = array<i64: 2, 16>, scalar_prefetch = 0 : i64, scratch_operands = 0 : i64, tpu.core_type = #tpu.core_type<sc_vector_subcore>, window_params = [{transform_indices = #map}, {transform_indices = #map}, {transform_indices = #map}]} {
    %mul3A = arith.constant 1 : i32
    %mul3A_0 = arith.muli %arg1, %mul3A : i32
    %add3A = arith.constant 0 : i32
    %add3A_1 = arith.addi %add3A, %mul3A_0 : i32
    %mul3A_2 = arith.constant 16 : i32
    %mul3A_3 = arith.muli %arg0, %mul3A_2 : i32
    %add3A_4 = arith.addi %add3A_1, %mul3A_3 : i32
    %mul3A_5 = arith.constant 2 : i32
    %mul3A_6 = arith.muli %add3A_4, %mul3A_5 : i32
    "tpu.region"() ({
      %run_scoped3A = memref.alloca() : memref<2x1x128xi32, #tpu.memory_space<vmem>>
      %run_scoped3A_7 = tpu.sem_alloc : memref<2x!tpu.dma_semaphore, #tpu.memory_space<semaphore_mem>>
      %run_scoped3A_8 = memref.alloca() : memref<2x128x128xf32, #tpu.memory_space<vmem>>
      %run_scoped3A_9 = tpu.sem_alloc : memref<2x!tpu.dma_semaphore, #tpu.memory_space<semaphore_mem>>
      %add3A_10 = arith.constant 0 : i32
      %add3A_11 = arith.addi %add3A_10, %mul3A_6 : i32
      %select_n3A = arith.constant true
      %select_n3A_12 = arith.constant 0 : i32
      %select_n3A_13 = arith.constant -1 : i32
      %select_n3A_14 = arith.select %select_n3A, %select_n3A_13, %select_n3A_12 : i32
      %eq3A = arith.constant -1 : i32
      %eq3A_15 = arith.cmpi eq, %select_n3A_14, %eq3A : i32
      %select_n3A_16 = arith.constant 1 : i32
      %select_n3A_17 = arith.select %eq3A_15, %select_n3A_16, %select_n3A_14 : i32
      %add3A_18 = arith.addi %select_n3A_17, %mul3A_6 : i32
      %select_n3A_19 = arith.constant true
      %select_n3A_20 = arith.constant 0 : i32
      %select_n3A_21 = arith.constant 1 : i32
      %select_n3A_22 = arith.select %select_n3A_19, %select_n3A_21, %select_n3A_20 : i32
      %eq3A_23 = arith.constant 2 : i32
      %eq3A_24 = arith.cmpi eq, %select_n3A_22, %eq3A_23 : i32
      %select_n3A_25 = arith.constant 0 : i32
      %select_n3A_26 = arith.select %eq3A_24, %select_n3A_25, %select_n3A_22 : i32
      %add3A_27 = arith.addi %select_n3A_26, %mul3A_6 : i32
      %add3A_28 = arith.constant 1 : i32
      %add3A_29 = arith.addi %select_n3A_26, %add3A_28 : i32
      %select_n3A_30 = arith.constant true
      %select_n3A_31 = arith.select %select_n3A_30, %add3A_29, %select_n3A_26 : i32
      %eq3A_32 = arith.constant 2 : i32
      %eq3A_33 = arith.cmpi eq, %select_n3A_31, %eq3A_32 : i32
      %select_n3A_34 = arith.constant 0 : i32
      %select_n3A_35 = arith.select %eq3A_33, %select_n3A_34, %select_n3A_31 : i32
      %add3A_36 = arith.addi %select_n3A_35, %mul3A_6 : i32
      "tpu.trace_start"() <{level = 10 : i32, message = "ep_initialize_0"}> : () -> ()
      %rem3A = arith.constant 0 : i32
      %rem3A_37 = arith.constant 2 : i32
      %rem3A_38 = arith.remui %rem3A, %rem3A_37 : i32
      %jit3A = arith.constant 16 : i32
      %div3A = arith.divsi %add3A_11, %jit3A : i32
      %sign3A = arith.constant 0 : i32
      %sign3A_39 = arith.cmpi sgt, %add3A_11, %sign3A : i32
      %sign3A_40 = arith.extui %sign3A_39 : i1 to i32
      %sign3A_41 = arith.constant 0 : i32
      %sign3A_42 = arith.cmpi slt, %add3A_11, %sign3A_41 : i32
      %sign3A_43 = arith.extui %sign3A_42 : i1 to i32
      %sign3A_44 = arith.subi %sign3A_40, %sign3A_43 : i32
      %sign3A_45 = arith.constant 0 : i32
      %sign3A_46 = arith.cmpi sgt, %jit3A, %sign3A_45 : i32
      %sign3A_47 = arith.extui %sign3A_46 : i1 to i32
      %sign3A_48 = arith.constant 0 : i32
      %sign3A_49 = arith.cmpi slt, %jit3A, %sign3A_48 : i32
      %sign3A_50 = arith.extui %sign3A_49 : i1 to i32
      %sign3A_51 = arith.subi %sign3A_47, %sign3A_50 : i32
      %ne3A = arith.cmpi ne, %sign3A_44, %sign3A_51 : i32
      %rem3A_52 = arith.remsi %add3A_11, %jit3A : i32
      %ne3A_53 = arith.constant 0 : i32
      %ne3A_54 = arith.cmpi ne, %rem3A_52, %ne3A_53 : i32
      %and3A = arith.andi %ne3A, %ne3A_54 : i1
      %sub3A = arith.constant 1 : i32
      %sub3A_55 = arith.subi %div3A, %sub3A : i32
      %select_n3A_56 = arith.select %and3A, %sub3A_55, %div3A : i32
      %jit3A_57 = arith.constant 16 : i32
      %eq3A_58 = arith.constant 0 : i32
      %eq3A_59 = arith.cmpi eq, %jit3A_57, %eq3A_58 : i32
      %jit3A_60 = arith.constant 1 : i32
      %select_n3A_61 = arith.select %eq3A_59, %jit3A_60, %jit3A_57 : i32
      %rem3A_62 = arith.remsi %add3A_11, %select_n3A_61 : i32
      %ne3A_63 = arith.constant 0 : i32
      %ne3A_64 = arith.cmpi ne, %rem3A_62, %ne3A_63 : i32
      %lt3A = arith.constant 0 : i32
      %lt3A_65 = arith.cmpi slt, %rem3A_62, %lt3A : i32
      %lt3A_66 = arith.constant 0 : i32
      %lt3A_67 = arith.cmpi slt, %select_n3A_61, %lt3A_66 : i32
      %ne3A_68 = arith.xori %lt3A_65, %lt3A_67 : i1
      %and3A_69 = arith.andi %ne3A_68, %ne3A_64 : i1
      %add3A_70 = arith.addi %rem3A_62, %select_n3A_61 : i32
      %select_n3A_71 = arith.select %and3A_69, %add3A_70, %rem3A_62 : i32
      %mul3A_72 = arith.constant 1 : i32
      %mul3A_73 = arith.muli %mul3A_72, %select_n3A_56 : i32
      %mul3A_74 = arith.constant 128 : i32
      %mul3A_75 = arith.muli %mul3A_74, %select_n3A_71 : i32
      %dma_start3A = arith.constant 0 : i32
      %dma_start3A_76 = arith.constant 0 : i32
      %dma_start3A_77 = tpu.memref_slice %run_scoped3A[%rem3A_38, %dma_start3A, %dma_start3A_76] : memref<2x1x128xi32, #tpu.memory_space<vmem>> -> memref<1x1x128xi32, #tpu.memory_space<vmem>>
      %dma_start3A_78 = tpu.memref_squeeze %dma_start3A_77 : memref<1x1x128xi32, #tpu.memory_space<vmem>> -> memref<1x128xi32, #tpu.memory_space<vmem>>
      %dma_start3A_79 = tpu.memref_slice %arg3[%mul3A_73, %mul3A_75] : memref<4x2048xi32, #tpu.memory_space<hbm>> -> memref<1x128xi32, #tpu.memory_space<hbm>>
      %dma_start3A_80 = tpu.memref_slice %run_scoped3A_7[%rem3A_38] : memref<2x!tpu.dma_semaphore, #tpu.memory_space<semaphore_mem>> -> memref<1x!tpu.dma_semaphore, #tpu.memory_space<semaphore_mem>>
      %dma_start3A_81 = tpu.memref_squeeze %dma_start3A_80 : memref<1x!tpu.dma_semaphore, #tpu.memory_space<semaphore_mem>> -> memref<!tpu.dma_semaphore, #tpu.memory_space<semaphore_mem>>
      %dma_start3A_82 = arith.constant 0 : i32
      %dma_start3A_83 = arith.constant 0 : i32
      %dma_start3A_84 = tpu.memref_slice %run_scoped3A[%rem3A_38, %dma_start3A_82, %dma_start3A_83] : memref<2x1x128xi32, #tpu.memory_space<vmem>> -> memref<1x1x128xi32, #tpu.memory_space<vmem>>
      %dma_start3A_85 = tpu.memref_squeeze %dma_start3A_84 : memref<1x1x128xi32, #tpu.memory_space<vmem>> -> memref<1x128xi32, #tpu.memory_space<vmem>>
      %dma_start3A_86 = tpu.memref_slice %arg3[%mul3A_73, %mul3A_75] : memref<4x2048xi32, #tpu.memory_space<hbm>> -> memref<1x128xi32, #tpu.memory_space<hbm>>
      tpu.enqueue_dma source(%dma_start3A_86 : memref<1x128xi32, #tpu.memory_space<hbm>>) target(%dma_start3A_85 : memref<1x128xi32, #tpu.memory_space<vmem>>) target_semaphore(%dma_start3A_81 : memref<!tpu.dma_semaphore, #tpu.memory_space<semaphore_mem>>)
      %add3A_87 = arith.constant 0 : i32
      %add3A_88 = arith.constant 1 : i32
      %add3A_89 = arith.addi %add3A_87, %add3A_88 : i32
      %select_n3A_90 = arith.constant true
      %select_n3A_91 = arith.constant 0 : i32
      %select_n3A_92 = arith.select %select_n3A_90, %add3A_89, %select_n3A_91 : i32
      "tpu.trace_stop"() : () -> ()
      %scan3A = arith.constant 0 : i32
      %scan3A_93 = arith.constant 0 : i32
      %scan3A_94 = arith.constant 0 : i32
      %scan3A_95 = arith.constant 0 : i32
      %scan3A_96 = arith.constant 0 : i32
      %scan3A_97 = arith.constant 2 : i32
      %scan3A_98 = arith.addi %scan3A_96, %scan3A_97 : i32
      %scan3A_99 = arith.constant 1 : i32
      %scan3A_100:5 = scf.for %scan3A_155 = %scan3A_96 to %scan3A_98 step %scan3A_99 iter_args(%scan3A_156 = %select_n3A_92, %scan3A_157 = %scan3A, %scan3A_158 = %scan3A_93, %scan3A_159 = %scan3A_94, %scan3A_160 = %scan3A_95) -> (i32, i32, i32, i32, i32)  : i32 {
        %eq3A_161 = arith.constant 0 : i32
        %eq3A_162 = arith.cmpi eq, %scan3A_155, %eq3A_161 : i32
        %eq3A_163 = arith.constant 1 : i32
        %eq3A_164 = arith.cmpi eq, %scan3A_155, %eq3A_163 : i32
        %add3A_165 = arith.addi %scan3A_160, %mul3A_6 : i32
        %sub3A_166 = arith.constant 1 : i32
        %sub3A_167 = arith.subi %scan3A_160, %sub3A_166 : i32
        %select_n3A_168 = arith.constant true
        %select_n3A_169 = arith.select %select_n3A_168, %sub3A_167, %scan3A_160 : i32
        %eq3A_170 = arith.constant -1 : i32
        %eq3A_171 = arith.cmpi eq, %select_n3A_169, %eq3A_170 : i32
        %select_n3A_172 = arith.constant 1 : i32
        %select_n3A_173 = arith.select %eq3A_171, %select_n3A_172, %select_n3A_169 : i32
        %add3A_174 = arith.addi %select_n3A_173, %mul3A_6 : i32
        %add3A_175 = arith.constant 1 : i32
        %add3A_176 = arith.addi %scan3A_160, %add3A_175 : i32
        %select_n3A_177 = arith.constant true
        %select_n3A_178 = arith.select %select_n3A_177, %add3A_176, %scan3A_160 : i32
        %eq3A_179 = arith.constant 2 : i32
        %eq3A_180 = arith.cmpi eq, %select_n3A_178, %eq3A_179 : i32
        %select_n3A_181 = arith.constant 0 : i32
        %select_n3A_182 = arith.select %eq3A_180, %select_n3A_181, %select_n3A_178 : i32
        %add3A_183 = arith.addi %select_n3A_182, %mul3A_6 : i32
        %add3A_184 = arith.constant 1 : i32
        %add3A_185 = arith.addi %select_n3A_182, %add3A_184 : i32
        %select_n3A_186 = arith.constant true
        %select_n3A_187 = arith.select %select_n3A_186, %add3A_185, %select_n3A_182 : i32
        %eq3A_188 = arith.constant 2 : i32
        %eq3A_189 = arith.cmpi eq, %select_n3A_187, %eq3A_188 : i32
        %select_n3A_190 = arith.constant 0 : i32
        %select_n3A_191 = arith.select %eq3A_189, %select_n3A_190, %select_n3A_187 : i32
        %add3A_192 = arith.addi %select_n3A_191, %mul3A_6 : i32
        %jit3A_193 = arith.constant 16 : i32
        %div3A_194 = arith.divsi %add3A_165, %jit3A_193 : i32
        %sign3A_195 = arith.constant 0 : i32
        %sign3A_196 = arith.cmpi sgt, %add3A_165, %sign3A_195 : i32
        %sign3A_197 = arith.extui %sign3A_196 : i1 to i32
        %sign3A_198 = arith.constant 0 : i32
        %sign3A_199 = arith.cmpi slt, %add3A_165, %sign3A_198 : i32
        %sign3A_200 = arith.extui %sign3A_199 : i1 to i32
        %sign3A_201 = arith.subi %sign3A_197, %sign3A_200 : i32
        %sign3A_202 = arith.constant 0 : i32
        %sign3A_203 = arith.cmpi sgt, %jit3A_193, %sign3A_202 : i32
        %sign3A_204 = arith.extui %sign3A_203 : i1 to i32
        %sign3A_205 = arith.constant 0 : i32
        %sign3A_206 = arith.cmpi slt, %jit3A_193, %sign3A_205 : i32
        %sign3A_207 = arith.extui %sign3A_206 : i1 to i32
        %sign3A_208 = arith.subi %sign3A_204, %sign3A_207 : i32
        %ne3A_209 = arith.cmpi ne, %sign3A_201, %sign3A_208 : i32
        %rem3A_210 = arith.remsi %add3A_165, %jit3A_193 : i32
        %ne3A_211 = arith.constant 0 : i32
        %ne3A_212 = arith.cmpi ne, %rem3A_210, %ne3A_211 : i32
        %and3A_213 = arith.andi %ne3A_209, %ne3A_212 : i1
        %sub3A_214 = arith.constant 1 : i32
        %sub3A_215 = arith.subi %div3A_194, %sub3A_214 : i32
        %select_n3A_216 = arith.select %and3A_213, %sub3A_215, %div3A_194 : i32
        %jit3A_217 = arith.constant 16 : i32
        %eq3A_218 = arith.constant 0 : i32
        %eq3A_219 = arith.cmpi eq, %jit3A_217, %eq3A_218 : i32
        %jit3A_220 = arith.constant 1 : i32
        %select_n3A_221 = arith.select %eq3A_219, %jit3A_220, %jit3A_217 : i32
        %rem3A_222 = arith.remsi %add3A_165, %select_n3A_221 : i32
        %ne3A_223 = arith.constant 0 : i32
        %ne3A_224 = arith.cmpi ne, %rem3A_222, %ne3A_223 : i32
        %lt3A_225 = arith.constant 0 : i32
        %lt3A_226 = arith.cmpi slt, %rem3A_222, %lt3A_225 : i32
        %lt3A_227 = arith.constant 0 : i32
        %lt3A_228 = arith.cmpi slt, %select_n3A_221, %lt3A_227 : i32
        %ne3A_229 = arith.xori %lt3A_226, %lt3A_228 : i1
        %and3A_230 = arith.andi %ne3A_229, %ne3A_224 : i1
        %add3A_231 = arith.addi %rem3A_222, %select_n3A_221 : i32
        %select_n3A_232 = arith.select %and3A_230, %add3A_231, %rem3A_222 : i32
        %jit3A_233 = arith.constant 16 : i32
        %div3A_234 = arith.divsi %add3A_183, %jit3A_233 : i32
        %sign3A_235 = arith.constant 0 : i32
        %sign3A_236 = arith.cmpi sgt, %add3A_183, %sign3A_235 : i32
        %sign3A_237 = arith.extui %sign3A_236 : i1 to i32
        %sign3A_238 = arith.constant 0 : i32
        %sign3A_239 = arith.cmpi slt, %add3A_183, %sign3A_238 : i32
        %sign3A_240 = arith.extui %sign3A_239 : i1 to i32
        %sign3A_241 = arith.subi %sign3A_237, %sign3A_240 : i32
        %sign3A_242 = arith.constant 0 : i32
        %sign3A_243 = arith.cmpi sgt, %jit3A_233, %sign3A_242 : i32
        %sign3A_244 = arith.extui %sign3A_243 : i1 to i32
        %sign3A_245 = arith.constant 0 : i32
        %sign3A_246 = arith.cmpi slt, %jit3A_233, %sign3A_245 : i32
        %sign3A_247 = arith.extui %sign3A_246 : i1 to i32
        %sign3A_248 = arith.subi %sign3A_244, %sign3A_247 : i32
        %ne3A_249 = arith.cmpi ne, %sign3A_241, %sign3A_248 : i32
        %rem3A_250 = arith.remsi %add3A_183, %jit3A_233 : i32
        %ne3A_251 = arith.constant 0 : i32
        %ne3A_252 = arith.cmpi ne, %rem3A_250, %ne3A_251 : i32
        %and3A_253 = arith.andi %ne3A_249, %ne3A_252 : i1
        %sub3A_254 = arith.constant 1 : i32
        %sub3A_255 = arith.subi %div3A_234, %sub3A_254 : i32
        %select_n3A_256 = arith.select %and3A_253, %sub3A_255, %div3A_234 : i32
        %jit3A_257 = arith.constant 16 : i32
        %eq3A_258 = arith.constant 0 : i32
        %eq3A_259 = arith.cmpi eq, %jit3A_257, %eq3A_258 : i32
        %jit3A_260 = arith.constant 1 : i32
        %select_n3A_261 = arith.select %eq3A_259, %jit3A_260, %jit3A_257 : i32
        %rem3A_262 = arith.remsi %add3A_183, %select_n3A_261 : i32
        %ne3A_263 = arith.constant 0 : i32
        %ne3A_264 = arith.cmpi ne, %rem3A_262, %ne3A_263 : i32
        %lt3A_265 = arith.constant 0 : i32
        %lt3A_266 = arith.cmpi slt, %rem3A_262, %lt3A_265 : i32
        %lt3A_267 = arith.constant 0 : i32
        %lt3A_268 = arith.cmpi slt, %select_n3A_261, %lt3A_267 : i32
        %ne3A_269 = arith.xori %lt3A_266, %lt3A_268 : i1
        %and3A_270 = arith.andi %ne3A_269, %ne3A_264 : i1
        %add3A_271 = arith.addi %rem3A_262, %select_n3A_261 : i32
        %select_n3A_272 = arith.select %and3A_270, %add3A_271, %rem3A_262 : i32
        %ne3A_273 = arith.cmpi ne, %select_n3A_216, %select_n3A_256 : i32
        %ne3A_274 = arith.cmpi ne, %select_n3A_232, %select_n3A_272 : i32
        %or3A = arith.constant false
        %or3A_275 = arith.ori %or3A, %ne3A_273 : i1
        %or3A_276 = arith.ori %or3A_275, %ne3A_274 : i1
        %ge3A = arith.constant 1 : i32
        %ge3A_277 = arith.cmpi sge, %scan3A_155, %ge3A : i32
        %not3A = arith.constant true
        %not3A_278 = arith.xori %ge3A_277, %not3A : i1
        %and3A_279 = arith.andi %or3A_276, %not3A_278 : i1
        %convert_element_type3A = arith.extui %and3A_279 : i1 to i32
        %cond3A = arith.constant 0 : i32
        %cond3A_280 = arith.cmpi ne, %convert_element_type3A, %cond3A : i32
        scf.if %cond3A_280 {
          "tpu.trace_start"() <{level = 10 : i32, message = "ep_copy_in"}> : () -> ()
          %rem3A_710 = arith.constant 2 : i32
          %rem3A_711 = arith.remui %scan3A_156, %rem3A_710 : i32
          %jit3A_712 = arith.constant 16 : i32
          %div3A_713 = arith.divsi %add3A_183, %jit3A_712 : i32
          %sign3A_714 = arith.constant 0 : i32
          %sign3A_715 = arith.cmpi sgt, %add3A_183, %sign3A_714 : i32
          %sign3A_716 = arith.extui %sign3A_715 : i1 to i32
          %sign3A_717 = arith.constant 0 : i32
          %sign3A_718 = arith.cmpi slt, %add3A_183, %sign3A_717 : i32
          %sign3A_719 = arith.extui %sign3A_718 : i1 to i32
          %sign3A_720 = arith.subi %sign3A_716, %sign3A_719 : i32
          %sign3A_721 = arith.constant 0 : i32
          %sign3A_722 = arith.cmpi sgt, %jit3A_712, %sign3A_721 : i32
          %sign3A_723 = arith.extui %sign3A_722 : i1 to i32
          %sign3A_724 = arith.constant 0 : i32
          %sign3A_725 = arith.cmpi slt, %jit3A_712, %sign3A_724 : i32
          %sign3A_726 = arith.extui %sign3A_725 : i1 to i32
          %sign3A_727 = arith.subi %sign3A_723, %sign3A_726 : i32
          %ne3A_728 = arith.cmpi ne, %sign3A_720, %sign3A_727 : i32
          %rem3A_729 = arith.remsi %add3A_183, %jit3A_712 : i32
          %ne3A_730 = arith.constant 0 : i32
          %ne3A_731 = arith.cmpi ne, %rem3A_729, %ne3A_730 : i32
          %and3A_732 = arith.andi %ne3A_728, %ne3A_731 : i1
          %sub3A_733 = arith.constant 1 : i32
          %sub3A_734 = arith.subi %div3A_713, %sub3A_733 : i32
          %select_n3A_735 = arith.select %and3A_732, %sub3A_734, %div3A_713 : i32
          %jit3A_736 = arith.constant 16 : i32
          %eq3A_737 = arith.constant 0 : i32
          %eq3A_738 = arith.cmpi eq, %jit3A_736, %eq3A_737 : i32
          %jit3A_739 = arith.constant 1 : i32
          %select_n3A_740 = arith.select %eq3A_738, %jit3A_739, %jit3A_736 : i32
          %rem3A_741 = arith.remsi %add3A_183, %select_n3A_740 : i32
          %ne3A_742 = arith.constant 0 : i32
          %ne3A_743 = arith.cmpi ne, %rem3A_741, %ne3A_742 : i32
          %lt3A_744 = arith.constant 0 : i32
          %lt3A_745 = arith.cmpi slt, %rem3A_741, %lt3A_744 : i32
          %lt3A_746 = arith.constant 0 : i32
          %lt3A_747 = arith.cmpi slt, %select_n3A_740, %lt3A_746 : i32
          %ne3A_748 = arith.xori %lt3A_745, %lt3A_747 : i1
          %and3A_749 = arith.andi %ne3A_748, %ne3A_743 : i1
          %add3A_750 = arith.addi %rem3A_741, %select_n3A_740 : i32
          %select_n3A_751 = arith.select %and3A_749, %add3A_750, %rem3A_741 : i32
          %mul3A_752 = arith.constant 1 : i32
          %mul3A_753 = arith.muli %mul3A_752, %select_n3A_735 : i32
          %mul3A_754 = arith.constant 128 : i32
          %mul3A_755 = arith.muli %mul3A_754, %select_n3A_751 : i32
          %dma_start3A_756 = arith.constant 0 : i32
          %dma_start3A_757 = arith.constant 0 : i32
          %dma_start3A_758 = tpu.memref_slice %run_scoped3A[%rem3A_711, %dma_start3A_756, %dma_start3A_757] : memref<2x1x128xi32, #tpu.memory_space<vmem>> -> memref<1x1x128xi32, #tpu.memory_space<vmem>>
          %dma_start3A_759 = tpu.memref_squeeze %dma_start3A_758 : memref<1x1x128xi32, #tpu.memory_space<vmem>> -> memref<1x128xi32, #tpu.memory_space<vmem>>
          %dma_start3A_760 = tpu.memref_slice %arg3[%mul3A_753, %mul3A_755] : memref<4x2048xi32, #tpu.memory_space<hbm>> -> memref<1x128xi32, #tpu.memory_space<hbm>>
          %dma_start3A_761 = tpu.memref_slice %run_scoped3A_7[%rem3A_711] : memref<2x!tpu.dma_semaphore, #tpu.memory_space<semaphore_mem>> -> memref<1x!tpu.dma_semaphore, #tpu.memory_space<semaphore_mem>>
          %dma_start3A_762 = tpu.memref_squeeze %dma_start3A_761 : memref<1x!tpu.dma_semaphore, #tpu.memory_space<semaphore_mem>> -> memref<!tpu.dma_semaphore, #tpu.memory_space<semaphore_mem>>
          %dma_start3A_763 = arith.constant 0 : i32
          %dma_start3A_764 = arith.constant 0 : i32
          %dma_start3A_765 = tpu.memref_slice %run_scoped3A[%rem3A_711, %dma_start3A_763, %dma_start3A_764] : memref<2x1x128xi32, #tpu.memory_space<vmem>> -> memref<1x1x128xi32, #tpu.memory_space<vmem>>
          %dma_start3A_766 = tpu.memref_squeeze %dma_start3A_765 : memref<1x1x128xi32, #tpu.memory_space<vmem>> -> memref<1x128xi32, #tpu.memory_space<vmem>>
          %dma_start3A_767 = tpu.memref_slice %arg3[%mul3A_753, %mul3A_755] : memref<4x2048xi32, #tpu.memory_space<hbm>> -> memref<1x128xi32, #tpu.memory_space<hbm>>
          tpu.enqueue_dma source(%dma_start3A_767 : memref<1x128xi32, #tpu.memory_space<hbm>>) target(%dma_start3A_766 : memref<1x128xi32, #tpu.memory_space<vmem>>) target_semaphore(%dma_start3A_762 : memref<!tpu.dma_semaphore, #tpu.memory_space<semaphore_mem>>)
          "tpu.trace_stop"() : () -> ()
        } else {
        }
        %and3A_281 = arith.constant true
        %and3A_282 = arith.andi %and3A_279, %and3A_281 : i1
        %add3A_283 = arith.constant 1 : i32
        %add3A_284 = arith.addi %scan3A_156, %add3A_283 : i32
        %select_n3A_285 = arith.select %and3A_282, %add3A_284, %scan3A_156 : i32
        %ne3A_286 = arith.cmpi ne, %add3A_165, %add3A_183 : i32
        %or3A_287 = arith.constant false
        %or3A_288 = arith.ori %or3A_287, %ne3A_286 : i1
        %or3A_289 = arith.constant false
        %or3A_290 = arith.ori %or3A_288, %or3A_289 : i1
        %ge3A_291 = arith.constant 1 : i32
        %ge3A_292 = arith.cmpi sge, %scan3A_155, %ge3A_291 : i32
        %not3A_293 = arith.constant true
        %not3A_294 = arith.xori %ge3A_292, %not3A_293 : i1
        %and3A_295 = arith.andi %or3A_290, %not3A_294 : i1
        %jit3A_296 = arith.constant 16 : i32
        %div3A_297 = arith.divsi %add3A_165, %jit3A_296 : i32
        %sign3A_298 = arith.constant 0 : i32
        %sign3A_299 = arith.cmpi sgt, %add3A_165, %sign3A_298 : i32
        %sign3A_300 = arith.extui %sign3A_299 : i1 to i32
        %sign3A_301 = arith.constant 0 : i32
        %sign3A_302 = arith.cmpi slt, %add3A_165, %sign3A_301 : i32
        %sign3A_303 = arith.extui %sign3A_302 : i1 to i32
        %sign3A_304 = arith.subi %sign3A_300, %sign3A_303 : i32
        %sign3A_305 = arith.constant 0 : i32
        %sign3A_306 = arith.cmpi sgt, %jit3A_296, %sign3A_305 : i32
        %sign3A_307 = arith.extui %sign3A_306 : i1 to i32
        %sign3A_308 = arith.constant 0 : i32
        %sign3A_309 = arith.cmpi slt, %jit3A_296, %sign3A_308 : i32
        %sign3A_310 = arith.extui %sign3A_309 : i1 to i32
        %sign3A_311 = arith.subi %sign3A_307, %sign3A_310 : i32
        %ne3A_312 = arith.cmpi ne, %sign3A_304, %sign3A_311 : i32
        %rem3A_313 = arith.remsi %add3A_165, %jit3A_296 : i32
        %ne3A_314 = arith.constant 0 : i32
        %ne3A_315 = arith.cmpi ne, %rem3A_313, %ne3A_314 : i32
        %and3A_316 = arith.andi %ne3A_312, %ne3A_315 : i1
        %sub3A_317 = arith.constant 1 : i32
        %sub3A_318 = arith.subi %div3A_297, %sub3A_317 : i32
        %select_n3A_319 = arith.select %and3A_316, %sub3A_318, %div3A_297 : i32
        %jit3A_320 = arith.constant 16 : i32
        %eq3A_321 = arith.constant 0 : i32
        %eq3A_322 = arith.cmpi eq, %jit3A_320, %eq3A_321 : i32
        %jit3A_323 = arith.constant 1 : i32
        %select_n3A_324 = arith.select %eq3A_322, %jit3A_323, %jit3A_320 : i32
        %rem3A_325 = arith.remsi %add3A_165, %select_n3A_324 : i32
        %ne3A_326 = arith.constant 0 : i32
        %ne3A_327 = arith.cmpi ne, %rem3A_325, %ne3A_326 : i32
        %lt3A_328 = arith.constant 0 : i32
        %lt3A_329 = arith.cmpi slt, %rem3A_325, %lt3A_328 : i32
        %lt3A_330 = arith.constant 0 : i32
        %lt3A_331 = arith.cmpi slt, %select_n3A_324, %lt3A_330 : i32
        %ne3A_332 = arith.xori %lt3A_329, %lt3A_331 : i1
        %and3A_333 = arith.andi %ne3A_332, %ne3A_327 : i1
        %add3A_334 = arith.addi %rem3A_325, %select_n3A_324 : i32
        %select_n3A_335 = arith.select %and3A_333, %add3A_334, %rem3A_325 : i32
        %jit3A_336 = arith.constant 16 : i32
        %div3A_337 = arith.divsi %add3A_174, %jit3A_336 : i32
        %sign3A_338 = arith.constant 0 : i32
        %sign3A_339 = arith.cmpi sgt, %add3A_174, %sign3A_338 : i32
        %sign3A_340 = arith.extui %sign3A_339 : i1 to i32
        %sign3A_341 = arith.constant 0 : i32
        %sign3A_342 = arith.cmpi slt, %add3A_174, %sign3A_341 : i32
        %sign3A_343 = arith.extui %sign3A_342 : i1 to i32
        %sign3A_344 = arith.subi %sign3A_340, %sign3A_343 : i32
        %sign3A_345 = arith.constant 0 : i32
        %sign3A_346 = arith.cmpi sgt, %jit3A_336, %sign3A_345 : i32
        %sign3A_347 = arith.extui %sign3A_346 : i1 to i32
        %sign3A_348 = arith.constant 0 : i32
        %sign3A_349 = arith.cmpi slt, %jit3A_336, %sign3A_348 : i32
        %sign3A_350 = arith.extui %sign3A_349 : i1 to i32
        %sign3A_351 = arith.subi %sign3A_347, %sign3A_350 : i32
        %ne3A_352 = arith.cmpi ne, %sign3A_344, %sign3A_351 : i32
        %rem3A_353 = arith.remsi %add3A_174, %jit3A_336 : i32
        %ne3A_354 = arith.constant 0 : i32
        %ne3A_355 = arith.cmpi ne, %rem3A_353, %ne3A_354 : i32
        %and3A_356 = arith.andi %ne3A_352, %ne3A_355 : i1
        %sub3A_357 = arith.constant 1 : i32
        %sub3A_358 = arith.subi %div3A_337, %sub3A_357 : i32
        %select_n3A_359 = arith.select %and3A_356, %sub3A_358, %div3A_337 : i32
        %jit3A_360 = arith.constant 16 : i32
        %eq3A_361 = arith.constant 0 : i32
        %eq3A_362 = arith.cmpi eq, %jit3A_360, %eq3A_361 : i32
        %jit3A_363 = arith.constant 1 : i32
        %select_n3A_364 = arith.select %eq3A_362, %jit3A_363, %jit3A_360 : i32
        %rem3A_365 = arith.remsi %add3A_174, %select_n3A_364 : i32
        %ne3A_366 = arith.constant 0 : i32
        %ne3A_367 = arith.cmpi ne, %rem3A_365, %ne3A_366 : i32
        %lt3A_368 = arith.constant 0 : i32
        %lt3A_369 = arith.cmpi slt, %rem3A_365, %lt3A_368 : i32
        %lt3A_370 = arith.constant 0 : i32
        %lt3A_371 = arith.cmpi slt, %select_n3A_364, %lt3A_370 : i32
        %ne3A_372 = arith.xori %lt3A_369, %lt3A_371 : i1
        %and3A_373 = arith.andi %ne3A_372, %ne3A_367 : i1
        %add3A_374 = arith.addi %rem3A_365, %select_n3A_364 : i32
        %select_n3A_375 = arith.select %and3A_373, %add3A_374, %rem3A_365 : i32
        %ne3A_376 = arith.cmpi ne, %select_n3A_319, %select_n3A_359 : i32
        %ne3A_377 = arith.cmpi ne, %select_n3A_335, %select_n3A_375 : i32
        %or3A_378 = arith.constant false
        %or3A_379 = arith.ori %or3A_378, %ne3A_376 : i1
        %or3A_380 = arith.ori %or3A_379, %ne3A_377 : i1
        %or3A_381 = arith.ori %or3A_380, %eq3A_162 : i1
        %convert_element_type3A_382 = arith.extui %or3A_381 : i1 to i32
        %cond3A_383 = arith.constant 0 : i32
        %cond3A_384 = arith.cmpi ne, %convert_element_type3A_382, %cond3A_383 : i32
        scf.if %cond3A_384 {
          %jit3A_710 = arith.constant 16 : i32
          "tpu.trace_start"() <{level = 10 : i32, message = "ep_wait_in"}> : () -> ()
          %div3A_711 = arith.divsi %add3A_165, %jit3A_710 : i32
          %sign3A_712 = arith.constant 0 : i32
          %sign3A_713 = arith.cmpi sgt, %add3A_165, %sign3A_712 : i32
          %sign3A_714 = arith.extui %sign3A_713 : i1 to i32
          %sign3A_715 = arith.constant 0 : i32
          %sign3A_716 = arith.cmpi slt, %add3A_165, %sign3A_715 : i32
          %sign3A_717 = arith.extui %sign3A_716 : i1 to i32
          %sign3A_718 = arith.subi %sign3A_714, %sign3A_717 : i32
          %sign3A_719 = arith.constant 0 : i32
          %sign3A_720 = arith.cmpi sgt, %jit3A_710, %sign3A_719 : i32
          %sign3A_721 = arith.extui %sign3A_720 : i1 to i32
          %sign3A_722 = arith.constant 0 : i32
          %sign3A_723 = arith.cmpi slt, %jit3A_710, %sign3A_722 : i32
          %sign3A_724 = arith.extui %sign3A_723 : i1 to i32
          %sign3A_725 = arith.subi %sign3A_721, %sign3A_724 : i32
          %ne3A_726 = arith.cmpi ne, %sign3A_718, %sign3A_725 : i32
          %rem3A_727 = arith.remsi %add3A_165, %jit3A_710 : i32
          %ne3A_728 = arith.constant 0 : i32
          %ne3A_729 = arith.cmpi ne, %rem3A_727, %ne3A_728 : i32
          %and3A_730 = arith.andi %ne3A_726, %ne3A_729 : i1
          %sub3A_731 = arith.constant 1 : i32
          %sub3A_732 = arith.subi %div3A_711, %sub3A_731 : i32
          %select_n3A_733 = arith.select %and3A_730, %sub3A_732, %div3A_711 : i32
          %jit3A_734 = arith.constant 16 : i32
          %eq3A_735 = arith.constant 0 : i32
          %eq3A_736 = arith.cmpi eq, %jit3A_734, %eq3A_735 : i32
          %jit3A_737 = arith.constant 1 : i32
          %select_n3A_738 = arith.select %eq3A_736, %jit3A_737, %jit3A_734 : i32
          %rem3A_739 = arith.remsi %add3A_165, %select_n3A_738 : i32
          %ne3A_740 = arith.constant 0 : i32
          %ne3A_741 = arith.cmpi ne, %rem3A_739, %ne3A_740 : i32
          %lt3A_742 = arith.constant 0 : i32
          %lt3A_743 = arith.cmpi slt, %rem3A_739, %lt3A_742 : i32
          %lt3A_744 = arith.constant 0 : i32
          %lt3A_745 = arith.cmpi slt, %select_n3A_738, %lt3A_744 : i32
          %ne3A_746 = arith.xori %lt3A_743, %lt3A_745 : i1
          %and3A_747 = arith.andi %ne3A_746, %ne3A_741 : i1
          %add3A_748 = arith.addi %rem3A_739, %select_n3A_738 : i32
          %select_n3A_749 = arith.select %and3A_747, %add3A_748, %rem3A_739 : i32
          %mul3A_750 = arith.constant 1 : i32
          %mul3A_751 = arith.muli %mul3A_750, %select_n3A_733 : i32
          %mul3A_752 = arith.constant 128 : i32
          %mul3A_753 = arith.muli %mul3A_752, %select_n3A_749 : i32
          %rem3A_754 = arith.constant 2 : i32
          %rem3A_755 = arith.remui %scan3A_157, %rem3A_754 : i32
          %dma_wait3A_756 = arith.constant 0 : i32
          %dma_wait3A_757 = arith.constant 0 : i32
          %dma_wait3A_758 = tpu.memref_slice %run_scoped3A[%rem3A_755, %dma_wait3A_756, %dma_wait3A_757] : memref<2x1x128xi32, #tpu.memory_space<vmem>> -> memref<1x1x128xi32, #tpu.memory_space<vmem>>
          %dma_wait3A_759 = tpu.memref_squeeze %dma_wait3A_758 : memref<1x1x128xi32, #tpu.memory_space<vmem>> -> memref<1x128xi32, #tpu.memory_space<vmem>>
          %dma_wait3A_760 = tpu.memref_slice %arg3[%mul3A_751, %mul3A_753] : memref<4x2048xi32, #tpu.memory_space<hbm>> -> memref<1x128xi32, #tpu.memory_space<hbm>>
          %dma_wait3A_761 = tpu.memref_slice %run_scoped3A_7[%rem3A_755] : memref<2x!tpu.dma_semaphore, #tpu.memory_space<semaphore_mem>> -> memref<1x!tpu.dma_semaphore, #tpu.memory_space<semaphore_mem>>
          %dma_wait3A_762 = tpu.memref_squeeze %dma_wait3A_761 : memref<1x!tpu.dma_semaphore, #tpu.memory_space<semaphore_mem>> -> memref<!tpu.dma_semaphore, #tpu.memory_space<semaphore_mem>>
          %dma_wait3A_763 = arith.constant 0 : i32
          %dma_wait3A_764 = arith.constant 0 : i32
          %dma_wait3A_765 = tpu.memref_slice %run_scoped3A[%rem3A_755, %dma_wait3A_763, %dma_wait3A_764] : memref<2x1x128xi32, #tpu.memory_space<vmem>> -> memref<1x1x128xi32, #tpu.memory_space<vmem>>
          %dma_wait3A_766 = tpu.memref_squeeze %dma_wait3A_765 : memref<1x1x128xi32, #tpu.memory_space<vmem>> -> memref<1x128xi32, #tpu.memory_space<vmem>>
          %dma_wait3A_767 = tpu.memref_slice %arg3[%mul3A_751, %mul3A_753] : memref<4x2048xi32, #tpu.memory_space<hbm>> -> memref<1x128xi32, #tpu.memory_space<hbm>>
          tpu.wait_dma2 semaphore(%dma_wait3A_762 : memref<!tpu.dma_semaphore, #tpu.memory_space<semaphore_mem>>) src(%dma_wait3A_767 : memref<1x128xi32, #tpu.memory_space<hbm>>) dst(%dma_wait3A_766 : memref<1x128xi32, #tpu.memory_space<vmem>>)
          "tpu.trace_stop"() : () -> ()
        } else {
        }
        %ne3A_385 = arith.cmpi ne, %add3A_165, %add3A_174 : i32
        %or3A_386 = arith.constant false
        %or3A_387 = arith.ori %or3A_386, %ne3A_385 : i1
        %or3A_388 = arith.constant false
        %or3A_389 = arith.ori %or3A_387, %or3A_388 : i1
        %or3A_390 = arith.ori %or3A_389, %eq3A_162 : i1
        %convert_element_type3A_391 = arith.extui %or3A_390 : i1 to i32
        %cond3A_392 = arith.constant 0 : i32
        %cond3A_393 = arith.cmpi ne, %convert_element_type3A_391, %cond3A_392 : i32
        scf.if %cond3A_393 {
        } else {
        }
        %rem3A_394 = arith.constant 2 : i32
        %rem3A_395 = arith.remui %scan3A_157, %rem3A_394 : i32
        %rem3A_396 = arith.constant 2 : i32
        %rem3A_397 = arith.remui %scan3A_158, %rem3A_396 : i32
        %run_scoped3A_398 = arith.constant 0 : i32
        "tpu.trace_start"() <{level = 10 : i32, message = "ep_run_kernel"}> : () -> ()
        "tpu.region"() ({
          %run_scoped3A_710 = tpu.sem_alloc : memref<!tpu.dma_semaphore, #tpu.memory_space<semaphore_mem>>
          %dma_start3A_711 = arith.constant 0 : i32
          %dma_start3A_712 = arith.constant 0 : i32
          %dma_start3A_713 = tpu.memref_slice %run_scoped3A_8[%rem3A_397, %dma_start3A_711, %dma_start3A_712] : memref<2x128x128xf32, #tpu.memory_space<vmem>> -> memref<1x128x128xf32, #tpu.memory_space<vmem>>
          %dma_start3A_714 = tpu.memref_squeeze %dma_start3A_713 : memref<1x128x128xf32, #tpu.memory_space<vmem>> -> memref<128x128xf32, #tpu.memory_space<vmem>>
          %dma_start3A_715 = arith.constant 0 : i32
          %dma_start3A_716 = arith.constant 0 : i32
          %dma_start3A_717 = tpu.memref_slice %run_scoped3A[%rem3A_395, %dma_start3A_715, %dma_start3A_716] : memref<2x1x128xi32, #tpu.memory_space<vmem>> -> memref<1x1x128xi32, #tpu.memory_space<vmem>>
          %dma_start3A_718 = tpu.memref_squeeze %dma_start3A_717 : memref<1x1x128xi32, #tpu.memory_space<vmem>> -> memref<1x128xi32, #tpu.memory_space<vmem>>
          %dma_start3A_719 = arith.constant 0 : i32
          %dma_start3A_720 = tpu.memref_slice %dma_start3A_718[%run_scoped3A_398, %dma_start3A_719] : memref<1x128xi32, #tpu.memory_space<vmem>> -> memref<1x128xi32, #tpu.memory_space<vmem>>
          %dma_start3A_721 = tpu.memref_squeeze %dma_start3A_720 : memref<1x128xi32, #tpu.memory_space<vmem>> -> memref<128xi32, #tpu.memory_space<vmem>>
          %dma_start3A_722 = arith.constant 0 : i32
          %dma_start3A_723 = arith.constant 0 : i32
          %dma_start3A_724 = tpu.memref_slice %arg2[%dma_start3A_722, %dma_start3A_723] : memref<100000x128xf32, #tpu.memory_space<hbm>> -> memref<100000x128xf32, #tpu.memory_space<hbm>>
          tpu.enqueue_indirect_dma source(%dma_start3A_724 : memref<100000x128xf32, #tpu.memory_space<hbm>>) target(%dma_start3A_714 : memref<128x128xf32, #tpu.memory_space<vmem>>) offsets(%dma_start3A_721 : memref<128xi32, #tpu.memory_space<vmem>>) semaphore(%run_scoped3A_710 : memref<!tpu.dma_semaphore, #tpu.memory_space<semaphore_mem>>)
          %dma_wait3A_725 = arith.constant 0 : i32
          %dma_wait3A_726 = arith.constant 0 : i32
          %dma_wait3A_727 = tpu.memref_slice %run_scoped3A_8[%rem3A_397, %dma_wait3A_725, %dma_wait3A_726] : memref<2x128x128xf32, #tpu.memory_space<vmem>> -> memref<1x128x128xf32, #tpu.memory_space<vmem>>
          %dma_wait3A_728 = tpu.memref_squeeze %dma_wait3A_727 : memref<1x128x128xf32, #tpu.memory_space<vmem>> -> memref<128x128xf32, #tpu.memory_space<vmem>>
          %dma_wait3A_729 = arith.constant 0 : i32
          %dma_wait3A_730 = arith.constant 0 : i32
          %dma_wait3A_731 = tpu.memref_slice %run_scoped3A[%rem3A_395, %dma_wait3A_729, %dma_wait3A_730] : memref<2x1x128xi32, #tpu.memory_space<vmem>> -> memref<1x1x128xi32, #tpu.memory_space<vmem>>
          %dma_wait3A_732 = tpu.memref_squeeze %dma_wait3A_731 : memref<1x1x128xi32, #tpu.memory_space<vmem>> -> memref<1x128xi32, #tpu.memory_space<vmem>>
          %dma_wait3A_733 = arith.constant 0 : i32
          %dma_wait3A_734 = tpu.memref_slice %dma_wait3A_732[%run_scoped3A_398, %dma_wait3A_733] : memref<1x128xi32, #tpu.memory_space<vmem>> -> memref<1x128xi32, #tpu.memory_space<vmem>>
          %dma_wait3A_735 = tpu.memref_squeeze %dma_wait3A_734 : memref<1x128xi32, #tpu.memory_space<vmem>> -> memref<128xi32, #tpu.memory_space<vmem>>
          %dma_wait3A_736 = arith.constant 0 : i32
          %dma_wait3A_737 = arith.constant 0 : i32
          %dma_wait3A_738 = tpu.memref_slice %arg2[%dma_wait3A_736, %dma_wait3A_737] : memref<100000x128xf32, #tpu.memory_space<hbm>> -> memref<100000x128xf32, #tpu.memory_space<hbm>>
          tpu.wait_indirect_dma semaphore(%run_scoped3A_710 : memref<!tpu.dma_semaphore, #tpu.memory_space<semaphore_mem>>) src(%dma_wait3A_738 : memref<100000x128xf32, #tpu.memory_space<hbm>>) dst(%dma_wait3A_728 : memref<128x128xf32, #tpu.memory_space<vmem>>)
          tpu.yield
        }) : () -> ()
        %jit3A_399 = arith.constant 16 : i32
        "tpu.trace_stop"() : () -> ()
        %div3A_400 = arith.divsi %add3A_165, %jit3A_399 : i32
        %sign3A_401 = arith.constant 0 : i32
        %sign3A_402 = arith.cmpi sgt, %add3A_165, %sign3A_401 : i32
        %sign3A_403 = arith.extui %sign3A_402 : i1 to i32
        %sign3A_404 = arith.constant 0 : i32
        %sign3A_405 = arith.cmpi slt, %add3A_165, %sign3A_404 : i32
        %sign3A_406 = arith.extui %sign3A_405 : i1 to i32
        %sign3A_407 = arith.subi %sign3A_403, %sign3A_406 : i32
        %sign3A_408 = arith.constant 0 : i32
        %sign3A_409 = arith.cmpi sgt, %jit3A_399, %sign3A_408 : i32
        %sign3A_410 = arith.extui %sign3A_409 : i1 to i32
        %sign3A_411 = arith.constant 0 : i32
        %sign3A_412 = arith.cmpi slt, %jit3A_399, %sign3A_411 : i32
        %sign3A_413 = arith.extui %sign3A_412 : i1 to i32
        %sign3A_414 = arith.subi %sign3A_410, %sign3A_413 : i32
        %ne3A_415 = arith.cmpi ne, %sign3A_407, %sign3A_414 : i32
        %rem3A_416 = arith.remsi %add3A_165, %jit3A_399 : i32
        %ne3A_417 = arith.constant 0 : i32
        %ne3A_418 = arith.cmpi ne, %rem3A_416, %ne3A_417 : i32
        %and3A_419 = arith.andi %ne3A_415, %ne3A_418 : i1
        %sub3A_420 = arith.constant 1 : i32
        %sub3A_421 = arith.subi %div3A_400, %sub3A_420 : i32
        %select_n3A_422 = arith.select %and3A_419, %sub3A_421, %div3A_400 : i32
        %jit3A_423 = arith.constant 16 : i32
        %eq3A_424 = arith.constant 0 : i32
        %eq3A_425 = arith.cmpi eq, %jit3A_423, %eq3A_424 : i32
        %jit3A_426 = arith.constant 1 : i32
        %select_n3A_427 = arith.select %eq3A_425, %jit3A_426, %jit3A_423 : i32
        %rem3A_428 = arith.remsi %add3A_165, %select_n3A_427 : i32
        %ne3A_429 = arith.constant 0 : i32
        %ne3A_430 = arith.cmpi ne, %rem3A_428, %ne3A_429 : i32
        %lt3A_431 = arith.constant 0 : i32
        %lt3A_432 = arith.cmpi slt, %rem3A_428, %lt3A_431 : i32
        %lt3A_433 = arith.constant 0 : i32
        %lt3A_434 = arith.cmpi slt, %select_n3A_427, %lt3A_433 : i32
        %ne3A_435 = arith.xori %lt3A_432, %lt3A_434 : i1
        %and3A_436 = arith.andi %ne3A_435, %ne3A_430 : i1
        %add3A_437 = arith.addi %rem3A_428, %select_n3A_427 : i32
        %select_n3A_438 = arith.select %and3A_436, %add3A_437, %rem3A_428 : i32
        %jit3A_439 = arith.constant 16 : i32
        %div3A_440 = arith.divsi %add3A_183, %jit3A_439 : i32
        %sign3A_441 = arith.constant 0 : i32
        %sign3A_442 = arith.cmpi sgt, %add3A_183, %sign3A_441 : i32
        %sign3A_443 = arith.extui %sign3A_442 : i1 to i32
        %sign3A_444 = arith.constant 0 : i32
        %sign3A_445 = arith.cmpi slt, %add3A_183, %sign3A_444 : i32
        %sign3A_446 = arith.extui %sign3A_445 : i1 to i32
        %sign3A_447 = arith.subi %sign3A_443, %sign3A_446 : i32
        %sign3A_448 = arith.constant 0 : i32
        %sign3A_449 = arith.cmpi sgt, %jit3A_439, %sign3A_448 : i32
        %sign3A_450 = arith.extui %sign3A_449 : i1 to i32
        %sign3A_451 = arith.constant 0 : i32
        %sign3A_452 = arith.cmpi slt, %jit3A_439, %sign3A_451 : i32
        %sign3A_453 = arith.extui %sign3A_452 : i1 to i32
        %sign3A_454 = arith.subi %sign3A_450, %sign3A_453 : i32
        %ne3A_455 = arith.cmpi ne, %sign3A_447, %sign3A_454 : i32
        %rem3A_456 = arith.remsi %add3A_183, %jit3A_439 : i32
        %ne3A_457 = arith.constant 0 : i32
        %ne3A_458 = arith.cmpi ne, %rem3A_456, %ne3A_457 : i32
        %and3A_459 = arith.andi %ne3A_455, %ne3A_458 : i1
        %sub3A_460 = arith.constant 1 : i32
        %sub3A_461 = arith.subi %div3A_440, %sub3A_460 : i32
        %select_n3A_462 = arith.select %and3A_459, %sub3A_461, %div3A_440 : i32
        %jit3A_463 = arith.constant 16 : i32
        %eq3A_464 = arith.constant 0 : i32
        %eq3A_465 = arith.cmpi eq, %jit3A_463, %eq3A_464 : i32
        %jit3A_466 = arith.constant 1 : i32
        %select_n3A_467 = arith.select %eq3A_465, %jit3A_466, %jit3A_463 : i32
        %rem3A_468 = arith.remsi %add3A_183, %select_n3A_467 : i32
        %ne3A_469 = arith.constant 0 : i32
        %ne3A_470 = arith.cmpi ne, %rem3A_468, %ne3A_469 : i32
        %lt3A_471 = arith.constant 0 : i32
        %lt3A_472 = arith.cmpi slt, %rem3A_468, %lt3A_471 : i32
        %lt3A_473 = arith.constant 0 : i32
        %lt3A_474 = arith.cmpi slt, %select_n3A_467, %lt3A_473 : i32
        %ne3A_475 = arith.xori %lt3A_472, %lt3A_474 : i1
        %and3A_476 = arith.andi %ne3A_475, %ne3A_470 : i1
        %add3A_477 = arith.addi %rem3A_468, %select_n3A_467 : i32
        %select_n3A_478 = arith.select %and3A_476, %add3A_477, %rem3A_468 : i32
        %ne3A_479 = arith.cmpi ne, %select_n3A_422, %select_n3A_462 : i32
        %ne3A_480 = arith.cmpi ne, %select_n3A_438, %select_n3A_478 : i32
        %or3A_481 = arith.constant false
        %or3A_482 = arith.ori %or3A_481, %ne3A_479 : i1
        %or3A_483 = arith.ori %or3A_482, %ne3A_480 : i1
        %or3A_484 = arith.ori %or3A_483, %eq3A_164 : i1
        %convert_element_type3A_485 = arith.extui %or3A_484 : i1 to i32
        %cond3A_486 = arith.constant 0 : i32
        %cond3A_487 = arith.cmpi ne, %convert_element_type3A_485, %cond3A_486 : i32
        scf.if %cond3A_487 {
        } else {
        }
        %and3A_488 = arith.constant false
        %and3A_489 = arith.andi %or3A_484, %and3A_488 : i1
        %ne3A_490 = arith.cmpi ne, %add3A_165, %add3A_183 : i32
        %or3A_491 = arith.constant false
        %or3A_492 = arith.ori %or3A_491, %ne3A_490 : i1
        %or3A_493 = arith.constant false
        %or3A_494 = arith.ori %or3A_492, %or3A_493 : i1
        %or3A_495 = arith.ori %or3A_494, %eq3A_164 : i1
        %convert_element_type3A_496 = arith.extui %or3A_495 : i1 to i32
        %cond3A_497 = arith.constant 0 : i32
        %cond3A_498 = arith.cmpi ne, %convert_element_type3A_496, %cond3A_497 : i32
        scf.if %cond3A_498 {
          "tpu.trace_start"() <{level = 10 : i32, message = "ep_copy_out"}> : () -> ()
          %rem3A_710 = arith.constant 2 : i32
          %rem3A_711 = arith.remui %scan3A_158, %rem3A_710 : i32
          %mul3A_712 = arith.constant 128 : i32
          %mul3A_713 = arith.muli %mul3A_712, %add3A_165 : i32
          %dma_start3A_714 = arith.constant 0 : i32
          %dma_start3A_715 = arith.constant 0 : i32
          %dma_start3A_716 = tpu.memref_slice %run_scoped3A_8[%rem3A_711, %dma_start3A_714, %dma_start3A_715] : memref<2x128x128xf32, #tpu.memory_space<vmem>> -> memref<1x128x128xf32, #tpu.memory_space<vmem>>
          %dma_start3A_717 = tpu.memref_squeeze %dma_start3A_716 : memref<1x128x128xf32, #tpu.memory_space<vmem>> -> memref<128x128xf32, #tpu.memory_space<vmem>>
          %dma_start3A_718 = arith.constant 0 : i32
          %dma_start3A_719 = tpu.memref_slice %arg4[%mul3A_713, %dma_start3A_718] : memref<8192x128xf32, #tpu.memory_space<hbm>> -> memref<128x128xf32, #tpu.memory_space<hbm>>
          %dma_start3A_720 = tpu.memref_slice %run_scoped3A_9[%rem3A_711] : memref<2x!tpu.dma_semaphore, #tpu.memory_space<semaphore_mem>> -> memref<1x!tpu.dma_semaphore, #tpu.memory_space<semaphore_mem>>
          %dma_start3A_721 = tpu.memref_squeeze %dma_start3A_720 : memref<1x!tpu.dma_semaphore, #tpu.memory_space<semaphore_mem>> -> memref<!tpu.dma_semaphore, #tpu.memory_space<semaphore_mem>>
          %dma_start3A_722 = arith.constant 0 : i32
          %dma_start3A_723 = tpu.memref_slice %arg4[%mul3A_713, %dma_start3A_722] : memref<8192x128xf32, #tpu.memory_space<hbm>> -> memref<128x128xf32, #tpu.memory_space<hbm>>
          %dma_start3A_724 = arith.constant 0 : i32
          %dma_start3A_725 = arith.constant 0 : i32
          %dma_start3A_726 = tpu.memref_slice %run_scoped3A_8[%rem3A_711, %dma_start3A_724, %dma_start3A_725] : memref<2x128x128xf32, #tpu.memory_space<vmem>> -> memref<1x128x128xf32, #tpu.memory_space<vmem>>
          %dma_start3A_727 = tpu.memref_squeeze %dma_start3A_726 : memref<1x128x128xf32, #tpu.memory_space<vmem>> -> memref<128x128xf32, #tpu.memory_space<vmem>>
          tpu.enqueue_dma source(%dma_start3A_727 : memref<128x128xf32, #tpu.memory_space<vmem>>) target(%dma_start3A_723 : memref<128x128xf32, #tpu.memory_space<hbm>>) target_semaphore(%dma_start3A_721 : memref<!tpu.dma_semaphore, #tpu.memory_space<semaphore_mem>>)
          "tpu.trace_stop"() : () -> ()
        } else {
        }
        %and3A_499 = arith.constant true
        %and3A_500 = arith.andi %or3A_495, %and3A_499 : i1
        %add3A_501 = arith.constant 1 : i32
        %add3A_502 = arith.addi %scan3A_158, %add3A_501 : i32
        %select_n3A_503 = arith.select %and3A_500, %add3A_502, %scan3A_158 : i32
        %jit3A_504 = arith.constant 16 : i32
        %div3A_505 = arith.divsi %add3A_165, %jit3A_504 : i32
        %sign3A_506 = arith.constant 0 : i32
        %sign3A_507 = arith.cmpi sgt, %add3A_165, %sign3A_506 : i32
        %sign3A_508 = arith.extui %sign3A_507 : i1 to i32
        %sign3A_509 = arith.constant 0 : i32
        %sign3A_510 = arith.cmpi slt, %add3A_165, %sign3A_509 : i32
        %sign3A_511 = arith.extui %sign3A_510 : i1 to i32
        %sign3A_512 = arith.subi %sign3A_508, %sign3A_511 : i32
        %sign3A_513 = arith.constant 0 : i32
        %sign3A_514 = arith.cmpi sgt, %jit3A_504, %sign3A_513 : i32
        %sign3A_515 = arith.extui %sign3A_514 : i1 to i32
        %sign3A_516 = arith.constant 0 : i32
        %sign3A_517 = arith.cmpi slt, %jit3A_504, %sign3A_516 : i32
        %sign3A_518 = arith.extui %sign3A_517 : i1 to i32
        %sign3A_519 = arith.subi %sign3A_515, %sign3A_518 : i32
        %ne3A_520 = arith.cmpi ne, %sign3A_512, %sign3A_519 : i32
        %rem3A_521 = arith.remsi %add3A_165, %jit3A_504 : i32
        %ne3A_522 = arith.constant 0 : i32
        %ne3A_523 = arith.cmpi ne, %rem3A_521, %ne3A_522 : i32
        %and3A_524 = arith.andi %ne3A_520, %ne3A_523 : i1
        %sub3A_525 = arith.constant 1 : i32
        %sub3A_526 = arith.subi %div3A_505, %sub3A_525 : i32
        %select_n3A_527 = arith.select %and3A_524, %sub3A_526, %div3A_505 : i32
        %jit3A_528 = arith.constant 16 : i32
        %eq3A_529 = arith.constant 0 : i32
        %eq3A_530 = arith.cmpi eq, %jit3A_528, %eq3A_529 : i32
        %jit3A_531 = arith.constant 1 : i32
        %select_n3A_532 = arith.select %eq3A_530, %jit3A_531, %jit3A_528 : i32
        %rem3A_533 = arith.remsi %add3A_165, %select_n3A_532 : i32
        %ne3A_534 = arith.constant 0 : i32
        %ne3A_535 = arith.cmpi ne, %rem3A_533, %ne3A_534 : i32
        %lt3A_536 = arith.constant 0 : i32
        %lt3A_537 = arith.cmpi slt, %rem3A_533, %lt3A_536 : i32
        %lt3A_538 = arith.constant 0 : i32
        %lt3A_539 = arith.cmpi slt, %select_n3A_532, %lt3A_538 : i32
        %ne3A_540 = arith.xori %lt3A_537, %lt3A_539 : i1
        %and3A_541 = arith.andi %ne3A_540, %ne3A_535 : i1
        %add3A_542 = arith.addi %rem3A_533, %select_n3A_532 : i32
        %select_n3A_543 = arith.select %and3A_541, %add3A_542, %rem3A_533 : i32
        %jit3A_544 = arith.constant 16 : i32
        %div3A_545 = arith.divsi %add3A_174, %jit3A_544 : i32
        %sign3A_546 = arith.constant 0 : i32
        %sign3A_547 = arith.cmpi sgt, %add3A_174, %sign3A_546 : i32
        %sign3A_548 = arith.extui %sign3A_547 : i1 to i32
        %sign3A_549 = arith.constant 0 : i32
        %sign3A_550 = arith.cmpi slt, %add3A_174, %sign3A_549 : i32
        %sign3A_551 = arith.extui %sign3A_550 : i1 to i32
        %sign3A_552 = arith.subi %sign3A_548, %sign3A_551 : i32
        %sign3A_553 = arith.constant 0 : i32
        %sign3A_554 = arith.cmpi sgt, %jit3A_544, %sign3A_553 : i32
        %sign3A_555 = arith.extui %sign3A_554 : i1 to i32
        %sign3A_556 = arith.constant 0 : i32
        %sign3A_557 = arith.cmpi slt, %jit3A_544, %sign3A_556 : i32
        %sign3A_558 = arith.extui %sign3A_557 : i1 to i32
        %sign3A_559 = arith.subi %sign3A_555, %sign3A_558 : i32
        %ne3A_560 = arith.cmpi ne, %sign3A_552, %sign3A_559 : i32
        %rem3A_561 = arith.remsi %add3A_174, %jit3A_544 : i32
        %ne3A_562 = arith.constant 0 : i32
        %ne3A_563 = arith.cmpi ne, %rem3A_561, %ne3A_562 : i32
        %and3A_564 = arith.andi %ne3A_560, %ne3A_563 : i1
        %sub3A_565 = arith.constant 1 : i32
        %sub3A_566 = arith.subi %div3A_545, %sub3A_565 : i32
        %select_n3A_567 = arith.select %and3A_564, %sub3A_566, %div3A_545 : i32
        %jit3A_568 = arith.constant 16 : i32
        %eq3A_569 = arith.constant 0 : i32
        %eq3A_570 = arith.cmpi eq, %jit3A_568, %eq3A_569 : i32
        %jit3A_571 = arith.constant 1 : i32
        %select_n3A_572 = arith.select %eq3A_570, %jit3A_571, %jit3A_568 : i32
        %rem3A_573 = arith.remsi %add3A_174, %select_n3A_572 : i32
        %ne3A_574 = arith.constant 0 : i32
        %ne3A_575 = arith.cmpi ne, %rem3A_573, %ne3A_574 : i32
        %lt3A_576 = arith.constant 0 : i32
        %lt3A_577 = arith.cmpi slt, %rem3A_573, %lt3A_576 : i32
        %lt3A_578 = arith.constant 0 : i32
        %lt3A_579 = arith.cmpi slt, %select_n3A_572, %lt3A_578 : i32
        %ne3A_580 = arith.xori %lt3A_577, %lt3A_579 : i1
        %and3A_581 = arith.andi %ne3A_580, %ne3A_575 : i1
        %add3A_582 = arith.addi %rem3A_573, %select_n3A_572 : i32
        %select_n3A_583 = arith.select %and3A_581, %add3A_582, %rem3A_573 : i32
        %ne3A_584 = arith.cmpi ne, %select_n3A_527, %select_n3A_567 : i32
        %ne3A_585 = arith.cmpi ne, %select_n3A_543, %select_n3A_583 : i32
        %or3A_586 = arith.constant false
        %or3A_587 = arith.ori %or3A_586, %ne3A_584 : i1
        %or3A_588 = arith.ori %or3A_587, %ne3A_585 : i1
        %not3A_589 = arith.constant true
        %not3A_590 = arith.xori %eq3A_162, %not3A_589 : i1
        %and3A_591 = arith.andi %or3A_588, %not3A_590 : i1
        %convert_element_type3A_592 = arith.extui %and3A_591 : i1 to i32
        %cond3A_593 = arith.constant 0 : i32
        %cond3A_594 = arith.cmpi ne, %convert_element_type3A_592, %cond3A_593 : i32
        scf.if %cond3A_594 {
        } else {
        }
        %and3A_595 = arith.constant false
        %and3A_596 = arith.andi %and3A_591, %and3A_595 : i1
        %ne3A_597 = arith.cmpi ne, %add3A_165, %add3A_174 : i32
        %or3A_598 = arith.constant false
        %or3A_599 = arith.ori %or3A_598, %ne3A_597 : i1
        %or3A_600 = arith.constant false
        %or3A_601 = arith.ori %or3A_599, %or3A_600 : i1
        %not3A_602 = arith.constant true
        %not3A_603 = arith.xori %eq3A_162, %not3A_602 : i1
        %and3A_604 = arith.andi %or3A_601, %not3A_603 : i1
        %convert_element_type3A_605 = arith.extui %and3A_604 : i1 to i32
        %cond3A_606 = arith.constant 0 : i32
        %cond3A_607 = arith.cmpi ne, %convert_element_type3A_605, %cond3A_606 : i32
        scf.if %cond3A_607 {
          "tpu.trace_start"() <{level = 10 : i32, message = "ep_wait_out"}> : () -> ()
          %rem3A_710 = arith.constant 2 : i32
          %rem3A_711 = arith.remui %scan3A_159, %rem3A_710 : i32
          %mul3A_712 = arith.constant 128 : i32
          %mul3A_713 = arith.muli %mul3A_712, %add3A_174 : i32
          %dma_wait3A_714 = arith.constant 0 : i32
          %dma_wait3A_715 = arith.constant 0 : i32
          %dma_wait3A_716 = tpu.memref_slice %run_scoped3A_8[%rem3A_711, %dma_wait3A_714, %dma_wait3A_715] : memref<2x128x128xf32, #tpu.memory_space<vmem>> -> memref<1x128x128xf32, #tpu.memory_space<vmem>>
          %dma_wait3A_717 = tpu.memref_squeeze %dma_wait3A_716 : memref<1x128x128xf32, #tpu.memory_space<vmem>> -> memref<128x128xf32, #tpu.memory_space<vmem>>
          %dma_wait3A_718 = arith.constant 0 : i32
          %dma_wait3A_719 = tpu.memref_slice %arg4[%mul3A_713, %dma_wait3A_718] : memref<8192x128xf32, #tpu.memory_space<hbm>> -> memref<128x128xf32, #tpu.memory_space<hbm>>
          %dma_wait3A_720 = tpu.memref_slice %run_scoped3A_9[%rem3A_711] : memref<2x!tpu.dma_semaphore, #tpu.memory_space<semaphore_mem>> -> memref<1x!tpu.dma_semaphore, #tpu.memory_space<semaphore_mem>>
          %dma_wait3A_721 = tpu.memref_squeeze %dma_wait3A_720 : memref<1x!tpu.dma_semaphore, #tpu.memory_space<semaphore_mem>> -> memref<!tpu.dma_semaphore, #tpu.memory_space<semaphore_mem>>
          %dma_wait3A_722 = arith.constant 0 : i32
          %dma_wait3A_723 = tpu.memref_slice %arg4[%mul3A_713, %dma_wait3A_722] : memref<8192x128xf32, #tpu.memory_space<hbm>> -> memref<128x128xf32, #tpu.memory_space<hbm>>
          %dma_wait3A_724 = arith.constant 0 : i32
          %dma_wait3A_725 = arith.constant 0 : i32
          %dma_wait3A_726 = tpu.memref_slice %run_scoped3A_8[%rem3A_711, %dma_wait3A_724, %dma_wait3A_725] : memref<2x128x128xf32, #tpu.memory_space<vmem>> -> memref<1x128x128xf32, #tpu.memory_space<vmem>>
          %dma_wait3A_727 = tpu.memref_squeeze %dma_wait3A_726 : memref<1x128x128xf32, #tpu.memory_space<vmem>> -> memref<128x128xf32, #tpu.memory_space<vmem>>
          tpu.wait_dma2 semaphore(%dma_wait3A_721 : memref<!tpu.dma_semaphore, #tpu.memory_space<semaphore_mem>>) src(%dma_wait3A_727 : memref<128x128xf32, #tpu.memory_space<vmem>>) dst(%dma_wait3A_723 : memref<128x128xf32, #tpu.memory_space<hbm>>)
          "tpu.trace_stop"() : () -> ()
        } else {
        }
        %and3A_608 = arith.constant true
        %and3A_609 = arith.andi %and3A_604, %and3A_608 : i1
        %add3A_610 = arith.constant 1 : i32
        %add3A_611 = arith.addi %scan3A_159, %add3A_610 : i32
        %select_n3A_612 = arith.select %and3A_609, %add3A_611, %scan3A_159 : i32
        %jit3A_613 = arith.constant 16 : i32
        %div3A_614 = arith.divsi %add3A_165, %jit3A_613 : i32
        %sign3A_615 = arith.constant 0 : i32
        %sign3A_616 = arith.cmpi sgt, %add3A_165, %sign3A_615 : i32
        %sign3A_617 = arith.extui %sign3A_616 : i1 to i32
        %sign3A_618 = arith.constant 0 : i32
        %sign3A_619 = arith.cmpi slt, %add3A_165, %sign3A_618 : i32
        %sign3A_620 = arith.extui %sign3A_619 : i1 to i32
        %sign3A_621 = arith.subi %sign3A_617, %sign3A_620 : i32
        %sign3A_622 = arith.constant 0 : i32
        %sign3A_623 = arith.cmpi sgt, %jit3A_613, %sign3A_622 : i32
        %sign3A_624 = arith.extui %sign3A_623 : i1 to i32
        %sign3A_625 = arith.constant 0 : i32
        %sign3A_626 = arith.cmpi slt, %jit3A_613, %sign3A_625 : i32
        %sign3A_627 = arith.extui %sign3A_626 : i1 to i32
        %sign3A_628 = arith.subi %sign3A_624, %sign3A_627 : i32
        %ne3A_629 = arith.cmpi ne, %sign3A_621, %sign3A_628 : i32
        %rem3A_630 = arith.remsi %add3A_165, %jit3A_613 : i32
        %ne3A_631 = arith.constant 0 : i32
        %ne3A_632 = arith.cmpi ne, %rem3A_630, %ne3A_631 : i32
        %and3A_633 = arith.andi %ne3A_629, %ne3A_632 : i1
        %sub3A_634 = arith.constant 1 : i32
        %sub3A_635 = arith.subi %div3A_614, %sub3A_634 : i32
        %select_n3A_636 = arith.select %and3A_633, %sub3A_635, %div3A_614 : i32
        %jit3A_637 = arith.constant 16 : i32
        %eq3A_638 = arith.constant 0 : i32
        %eq3A_639 = arith.cmpi eq, %jit3A_637, %eq3A_638 : i32
        %jit3A_640 = arith.constant 1 : i32
        %select_n3A_641 = arith.select %eq3A_639, %jit3A_640, %jit3A_637 : i32
        %rem3A_642 = arith.remsi %add3A_165, %select_n3A_641 : i32
        %ne3A_643 = arith.constant 0 : i32
        %ne3A_644 = arith.cmpi ne, %rem3A_642, %ne3A_643 : i32
        %lt3A_645 = arith.constant 0 : i32
        %lt3A_646 = arith.cmpi slt, %rem3A_642, %lt3A_645 : i32
        %lt3A_647 = arith.constant 0 : i32
        %lt3A_648 = arith.cmpi slt, %select_n3A_641, %lt3A_647 : i32
        %ne3A_649 = arith.xori %lt3A_646, %lt3A_648 : i1
        %and3A_650 = arith.andi %ne3A_649, %ne3A_644 : i1
        %add3A_651 = arith.addi %rem3A_642, %select_n3A_641 : i32
        %select_n3A_652 = arith.select %and3A_650, %add3A_651, %rem3A_642 : i32
        %jit3A_653 = arith.constant 16 : i32
        %div3A_654 = arith.divsi %add3A_183, %jit3A_653 : i32
        %sign3A_655 = arith.constant 0 : i32
        %sign3A_656 = arith.cmpi sgt, %add3A_183, %sign3A_655 : i32
        %sign3A_657 = arith.extui %sign3A_656 : i1 to i32
        %sign3A_658 = arith.constant 0 : i32
        %sign3A_659 = arith.cmpi slt, %add3A_183, %sign3A_658 : i32
        %sign3A_660 = arith.extui %sign3A_659 : i1 to i32
        %sign3A_661 = arith.subi %sign3A_657, %sign3A_660 : i32
        %sign3A_662 = arith.constant 0 : i32
        %sign3A_663 = arith.cmpi sgt, %jit3A_653, %sign3A_662 : i32
        %sign3A_664 = arith.extui %sign3A_663 : i1 to i32
        %sign3A_665 = arith.constant 0 : i32
        %sign3A_666 = arith.cmpi slt, %jit3A_653, %sign3A_665 : i32
        %sign3A_667 = arith.extui %sign3A_666 : i1 to i32
        %sign3A_668 = arith.subi %sign3A_664, %sign3A_667 : i32
        %ne3A_669 = arith.cmpi ne, %sign3A_661, %sign3A_668 : i32
        %rem3A_670 = arith.remsi %add3A_183, %jit3A_653 : i32
        %ne3A_671 = arith.constant 0 : i32
        %ne3A_672 = arith.cmpi ne, %rem3A_670, %ne3A_671 : i32
        %and3A_673 = arith.andi %ne3A_669, %ne3A_672 : i1
        %sub3A_674 = arith.constant 1 : i32
        %sub3A_675 = arith.subi %div3A_654, %sub3A_674 : i32
        %select_n3A_676 = arith.select %and3A_673, %sub3A_675, %div3A_654 : i32
        %jit3A_677 = arith.constant 16 : i32
        %eq3A_678 = arith.constant 0 : i32
        %eq3A_679 = arith.cmpi eq, %jit3A_677, %eq3A_678 : i32
        %jit3A_680 = arith.constant 1 : i32
        %select_n3A_681 = arith.select %eq3A_679, %jit3A_680, %jit3A_677 : i32
        %rem3A_682 = arith.remsi %add3A_183, %select_n3A_681 : i32
        %ne3A_683 = arith.constant 0 : i32
        %ne3A_684 = arith.cmpi ne, %rem3A_682, %ne3A_683 : i32
        %lt3A_685 = arith.constant 0 : i32
        %lt3A_686 = arith.cmpi slt, %rem3A_682, %lt3A_685 : i32
        %lt3A_687 = arith.constant 0 : i32
        %lt3A_688 = arith.cmpi slt, %select_n3A_681, %lt3A_687 : i32
        %ne3A_689 = arith.xori %lt3A_686, %lt3A_688 : i1
        %and3A_690 = arith.andi %ne3A_689, %ne3A_684 : i1
        %add3A_691 = arith.addi %rem3A_682, %select_n3A_681 : i32
        %select_n3A_692 = arith.select %and3A_690, %add3A_691, %rem3A_682 : i32
        %ne3A_693 = arith.cmpi ne, %select_n3A_636, %select_n3A_676 : i32
        %ne3A_694 = arith.cmpi ne, %select_n3A_652, %select_n3A_692 : i32
        %or3A_695 = arith.constant false
        %or3A_696 = arith.ori %or3A_695, %ne3A_693 : i1
        %or3A_697 = arith.ori %or3A_696, %ne3A_694 : i1
        %or3A_698 = arith.ori %or3A_697, %eq3A_164 : i1
        %add3A_699 = arith.constant 1 : i32
        %add3A_700 = arith.addi %scan3A_157, %add3A_699 : i32
        %select_n3A_701 = arith.select %or3A_698, %add3A_700, %scan3A_157 : i32
        %add3A_702 = arith.constant 1 : i32
        %add3A_703 = arith.addi %scan3A_160, %add3A_702 : i32
        %select_n3A_704 = arith.constant true
        %select_n3A_705 = arith.select %select_n3A_704, %add3A_703, %scan3A_160 : i32
        %eq3A_706 = arith.constant 2 : i32
        %eq3A_707 = arith.cmpi eq, %select_n3A_705, %eq3A_706 : i32
        %select_n3A_708 = arith.constant 0 : i32
        %select_n3A_709 = arith.select %eq3A_707, %select_n3A_708, %select_n3A_705 : i32
        scf.yield %select_n3A_285, %select_n3A_701, %select_n3A_503, %select_n3A_612, %select_n3A_709 : i32, i32, i32, i32, i32
      }
      %scan3A_101 = arith.constant 2 : i32
      %sub3A_102 = arith.constant 1 : i32
      %sub3A_103 = arith.subi %scan3A_100#4, %sub3A_102 : i32
      %select_n3A_104 = arith.constant true
      %select_n3A_105 = arith.select %select_n3A_104, %sub3A_103, %scan3A_100#4 : i32
      %eq3A_106 = arith.constant -1 : i32
      %eq3A_107 = arith.cmpi eq, %select_n3A_105, %eq3A_106 : i32
      %select_n3A_108 = arith.constant 1 : i32
      %select_n3A_109 = arith.select %eq3A_107, %select_n3A_108, %select_n3A_105 : i32
      %add3A_110 = arith.addi %select_n3A_109, %mul3A_6 : i32
      %sub3A_111 = arith.constant 1 : i32
      %sub3A_112 = arith.subi %select_n3A_109, %sub3A_111 : i32
      %select_n3A_113 = arith.constant true
      %select_n3A_114 = arith.select %select_n3A_113, %sub3A_112, %select_n3A_109 : i32
      %eq3A_115 = arith.constant -1 : i32
      %eq3A_116 = arith.cmpi eq, %select_n3A_114, %eq3A_115 : i32
      %select_n3A_117 = arith.constant 1 : i32
      %select_n3A_118 = arith.select %eq3A_116, %select_n3A_117, %select_n3A_114 : i32
      %add3A_119 = arith.addi %select_n3A_118, %mul3A_6 : i32
      %add3A_120 = arith.constant 1 : i32
      %add3A_121 = arith.addi %select_n3A_109, %add3A_120 : i32
      %select_n3A_122 = arith.constant true
      %select_n3A_123 = arith.select %select_n3A_122, %add3A_121, %select_n3A_109 : i32
      %eq3A_124 = arith.constant 2 : i32
      %eq3A_125 = arith.cmpi eq, %select_n3A_123, %eq3A_124 : i32
      %select_n3A_126 = arith.constant 0 : i32
      %select_n3A_127 = arith.select %eq3A_125, %select_n3A_126, %select_n3A_123 : i32
      %add3A_128 = arith.addi %select_n3A_127, %mul3A_6 : i32
      %add3A_129 = arith.constant 1 : i32
      %add3A_130 = arith.addi %select_n3A_127, %add3A_129 : i32
      %select_n3A_131 = arith.constant true
      %select_n3A_132 = arith.select %select_n3A_131, %add3A_130, %select_n3A_127 : i32
      %eq3A_133 = arith.constant 2 : i32
      %eq3A_134 = arith.cmpi eq, %select_n3A_132, %eq3A_133 : i32
      %select_n3A_135 = arith.constant 0 : i32
      %select_n3A_136 = arith.select %eq3A_134, %select_n3A_135, %select_n3A_132 : i32
      %add3A_137 = arith.addi %select_n3A_136, %mul3A_6 : i32
      "tpu.trace_start"() <{level = 10 : i32, message = "ep_finalize"}> : () -> ()
      %rem3A_138 = arith.constant 2 : i32
      %rem3A_139 = arith.remui %scan3A_100#3, %rem3A_138 : i32
      %mul3A_140 = arith.constant 128 : i32
      %mul3A_141 = arith.muli %mul3A_140, %add3A_110 : i32
      %dma_wait3A = arith.constant 0 : i32
      %dma_wait3A_142 = arith.constant 0 : i32
      %dma_wait3A_143 = tpu.memref_slice %run_scoped3A_8[%rem3A_139, %dma_wait3A, %dma_wait3A_142] : memref<2x128x128xf32, #tpu.memory_space<vmem>> -> memref<1x128x128xf32, #tpu.memory_space<vmem>>
      %dma_wait3A_144 = tpu.memref_squeeze %dma_wait3A_143 : memref<1x128x128xf32, #tpu.memory_space<vmem>> -> memref<128x128xf32, #tpu.memory_space<vmem>>
      %dma_wait3A_145 = arith.constant 0 : i32
      %dma_wait3A_146 = tpu.memref_slice %arg4[%mul3A_141, %dma_wait3A_145] : memref<8192x128xf32, #tpu.memory_space<hbm>> -> memref<128x128xf32, #tpu.memory_space<hbm>>
      %dma_wait3A_147 = tpu.memref_slice %run_scoped3A_9[%rem3A_139] : memref<2x!tpu.dma_semaphore, #tpu.memory_space<semaphore_mem>> -> memref<1x!tpu.dma_semaphore, #tpu.memory_space<semaphore_mem>>
      %dma_wait3A_148 = tpu.memref_squeeze %dma_wait3A_147 : memref<1x!tpu.dma_semaphore, #tpu.memory_space<semaphore_mem>> -> memref<!tpu.dma_semaphore, #tpu.memory_space<semaphore_mem>>
      %dma_wait3A_149 = arith.constant 0 : i32
      %dma_wait3A_150 = tpu.memref_slice %arg4[%mul3A_141, %dma_wait3A_149] : memref<8192x128xf32, #tpu.memory_space<hbm>> -> memref<128x128xf32, #tpu.memory_space<hbm>>
      %dma_wait3A_151 = arith.constant 0 : i32
      %dma_wait3A_152 = arith.constant 0 : i32
      %dma_wait3A_153 = tpu.memref_slice %run_scoped3A_8[%rem3A_139, %dma_wait3A_151, %dma_wait3A_152] : memref<2x128x128xf32, #tpu.memory_space<vmem>> -> memref<1x128x128xf32, #tpu.memory_space<vmem>>
      %dma_wait3A_154 = tpu.memref_squeeze %dma_wait3A_153 : memref<1x128x128xf32, #tpu.memory_space<vmem>> -> memref<128x128xf32, #tpu.memory_space<vmem>>
      tpu.wait_dma2 semaphore(%dma_wait3A_148 : memref<!tpu.dma_semaphore, #tpu.memory_space<semaphore_mem>>) src(%dma_wait3A_154 : memref<128x128xf32, #tpu.memory_space<vmem>>) dst(%dma_wait3A_150 : memref<128x128xf32, #tpu.memory_space<hbm>>)
      "tpu.trace_stop"() : () -> ()
      tpu.yield
    }) : () -> ()
    return
  }
}

module attributes {stable_mosaic.version = 14 : i64} {
  func.func @_tc_body(%arg0: i32, %arg1: i32, %arg2: memref<2048x128xf32, #tpu.memory_space<vmem>>, %arg3: memref<4x2048xi32, #tpu.memory_space<vmem>>, %arg4: memref<2x128xf32, #tpu.memory_space<vmem>>, %arg5: memref<768x128xf32, #tpu.memory_space<vmem>>, %arg6: memref<768xf32, #tpu.memory_space<vmem>>, %arg7: memref<768xf32, #tpu.memory_space<vmem>>, %arg8: memref<2048x768xf32, #tpu.memory_space<vmem>>) attributes {dimension_semantics = [#tpu.dimension_semantics<arbitrary>, #tpu.dimension_semantics<arbitrary>], iteration_bounds = array<i64: 4, 1>, scalar_prefetch = 0 : i64, scratch_operands = 0 : i64, tpu.core_type = #tpu.core_type<tc>, window_params = [{transform_indices = @transform_0, window_bounds = array<i64: 2048, 128>}, {pipeline_mode = #tpu.pipeline_mode<synchronous>, transform_indices = @transform_1, window_bounds = array<i64: 4, 2048>}, {pipeline_mode = #tpu.pipeline_mode<synchronous>, transform_indices = @transform_2, window_bounds = array<i64: 2, 128>}, {pipeline_mode = #tpu.pipeline_mode<synchronous>, transform_indices = @transform_3, window_bounds = array<i64: 768, 128>}, {pipeline_mode = #tpu.pipeline_mode<synchronous>, transform_indices = @transform_4, window_bounds = array<i64: 768>}, {pipeline_mode = #tpu.pipeline_mode<synchronous>, transform_indices = @transform_5, window_bounds = array<i64: 768>}, {transform_indices = @transform_6, window_bounds = array<i64: 2048, 768>}]} {
    %get3A = arith.constant 0 : index
    %get3A_0 = arith.constant 0 : index
    %get3A_1 = vector.load %arg4[%get3A, %get3A_0] : memref<2x128xf32, #tpu.memory_space<vmem>>, vector<1x128xf32>
    %get3A_2 = arith.constant 1 : index
    %get3A_3 = arith.constant 0 : index
    %get3A_4 = vector.load %arg4[%get3A_2, %get3A_3] : memref<2x128xf32, #tpu.memory_space<vmem>>, vector<1x128xf32>
    %sub3A = arith.subf %get3A_4, %get3A_1 : vector<1x128xf32>
    %mul3A = arith.constant 2048 : i32
    %mul3A_5 = arith.muli %arg1, %mul3A : i32
    %get3A_6 = arith.index_cast %arg0 : i32 to index
    %get3A_7 = arith.index_cast %mul3A_5 : i32 to index
    %get3A_8 = vector.load %arg3[%get3A_6, %get3A_7] : memref<4x2048xi32, #tpu.memory_space<vmem>>, vector<1x2048xi32>
    %convert_element_type3A = arith.sitofp %get3A_8 : vector<1x2048xi32> to vector<1x2048xf32>
    %transpose3A = tpu.transpose %convert_element_type3A, [1, 0] : vector<1x2048xf32> -> vector<2048x1xf32>
    %get3A_9 = arith.constant 0 : index
    %get3A_10 = arith.constant 0 : index
    %get3A_11 = vector.load %arg2[%get3A_9, %get3A_10] : memref<2048x128xf32, #tpu.memory_space<vmem>>, vector<2048x128xf32>
    %add3A = vector.broadcast %get3A_1 : vector<1x128xf32> to vector<2048x128xf32>
    %add3A_12 = arith.addf %get3A_11, %add3A : vector<2048x128xf32>
    %mul3A_13 = vector.broadcast %transpose3A : vector<2048x1xf32> to vector<2048x128xf32>
    %mul3A_14 = vector.broadcast %sub3A : vector<1x128xf32> to vector<2048x128xf32>
    %mul3A_15 = arith.mulf %mul3A_13, %mul3A_14 : vector<2048x128xf32>
    %add3A_16 = arith.addf %add3A_12, %mul3A_15 : vector<2048x128xf32>
    %get3A_17 = arith.constant 0 : index
    %get3A_18 = arith.constant 0 : index
    %get3A_19 = vector.load %arg5[%get3A_17, %get3A_18] : memref<768x128xf32, #tpu.memory_space<vmem>>, vector<768x128xf32>
    %dot_general3A = arith.constant dense<0.000000e+00> : vector<2048x768xf32>
    %dot_general3A_20 = tpu.matmul %add3A_16, %get3A_19, %dot_general3A {dimension_numbers = #tpu.dot_dimension_numbers<[1], [1], [0], [0], [0, 0, 1, 0], [], []>, transpose_lhs_hint = false} : vector<2048x128xf32>, vector<768x128xf32>, vector<2048x768xf32> -> vector<2048x768xf32>
    %get3A_21 = arith.constant 0 : index
    %get3A_22 = vector.load %arg6[%get3A_21] : memref<768xf32, #tpu.memory_space<vmem>>, vector<768xf32>
    %broadcast_in_dim3A = vector.shape_cast %get3A_22 : vector<768xf32> to vector<1x768xf32>
    %add3A_23 = vector.broadcast %broadcast_in_dim3A : vector<1x768xf32> to vector<2048x768xf32>
    %add3A_24 = arith.addf %dot_general3A_20, %add3A_23 : vector<2048x768xf32>
    %mul3A_25 = arith.mulf %add3A_24, %add3A_24 : vector<2048x768xf32>
    %reduce_sum3A = arith.constant dense<0.000000e+00> : vector<2048xf32>
    %reduce_sum3A_26 = vector.multi_reduction <add>, %mul3A_25, %reduce_sum3A [1] : vector<2048x768xf32> to vector<2048xf32>
    %broadcast_in_dim3A_27 = vector.shape_cast %reduce_sum3A_26 : vector<2048xf32> to vector<2048x1xf32>
    %div3A = arith.constant 7.680000e+02 : f32
    %div3A_28 = vector.broadcast %div3A : f32 to vector<2048x1xf32>
    %div3A_29 = arith.divf %broadcast_in_dim3A_27, %div3A_28 : vector<2048x1xf32>
    %add3A_30 = arith.constant 9.99999997E-7 : f32
    %add3A_31 = vector.broadcast %add3A_30 : f32 to vector<2048x1xf32>
    %add3A_32 = arith.addf %div3A_29, %add3A_31 : vector<2048x1xf32>
    %rsqrt3A = math.rsqrt %add3A_32 : vector<2048x1xf32>
    %mul3A_33 = vector.broadcast %rsqrt3A : vector<2048x1xf32> to vector<2048x768xf32>
    %mul3A_34 = arith.mulf %add3A_24, %mul3A_33 : vector<2048x768xf32>
    %get3A_35 = arith.constant 0 : index
    %get3A_36 = vector.load %arg7[%get3A_35] : memref<768xf32, #tpu.memory_space<vmem>>, vector<768xf32>
    %broadcast_in_dim3A_37 = vector.shape_cast %get3A_36 : vector<768xf32> to vector<1x768xf32>
    %mul3A_38 = vector.broadcast %broadcast_in_dim3A_37 : vector<1x768xf32> to vector<2048x768xf32>
    %mul3A_39 = arith.mulf %mul3A_34, %mul3A_38 : vector<2048x768xf32>
    %swap3A = arith.constant 0 : index
    %swap3A_40 = arith.constant 0 : index
    %swap3A_41 = vector.load %arg8[%swap3A, %swap3A_40] : memref<2048x768xf32, #tpu.memory_space<vmem>>, vector<2048x768xf32>
    tpu.vector_store %arg8[%swap3A, %swap3A_40], %mul3A_39 {strides = array<i32>} : memref<2048x768xf32, #tpu.memory_space<vmem>>, vector<2048x768xf32>,
    return
  }
  func.func @transform_0(%arg0: i32, %arg1: i32) -> (i32, i32) {
    %mul3A = arith.constant 1 : i32
    %mul3A_0 = arith.muli %arg0, %mul3A : i32
    %add3A = arith.addi %mul3A_0, %arg1 : i32
    %c0_i32 = arith.constant 0 : i32
    %c0_i32_1 = arith.constant 0 : i32
    return %add3A, %c0_i32 : i32, i32
  }
  func.func @transform_1(%arg0: i32, %arg1: i32) -> (i32, i32) {
    %c0_i32 = arith.constant 0 : i32
    %c0_i32_0 = arith.constant 0 : i32
    %c0_i32_1 = arith.constant 0 : i32
    return %c0_i32, %c0_i32_0 : i32, i32
  }
  func.func @transform_2(%arg0: i32, %arg1: i32) -> (i32, i32) {
    %c0_i32 = arith.constant 0 : i32
    %c0_i32_0 = arith.constant 0 : i32
    %c0_i32_1 = arith.constant 0 : i32
    return %c0_i32, %c0_i32_0 : i32, i32
  }
  func.func @transform_3(%arg0: i32, %arg1: i32) -> (i32, i32) {
    %c0_i32 = arith.constant 0 : i32
    %c0_i32_0 = arith.constant 0 : i32
    %c0_i32_1 = arith.constant 0 : i32
    return %c0_i32, %c0_i32_0 : i32, i32
  }
  func.func @transform_4(%arg0: i32, %arg1: i32) -> i32 {
    %c0_i32 = arith.constant 0 : i32
    %c0_i32_0 = arith.constant 0 : i32
    return %c0_i32 : i32
  }
  func.func @transform_5(%arg0: i32, %arg1: i32) -> i32 {
    %c0_i32 = arith.constant 0 : i32
    %c0_i32_0 = arith.constant 0 : i32
    return %c0_i32 : i32
  }
  func.func @transform_6(%arg0: i32, %arg1: i32) -> (i32, i32) {
    %mul3A = arith.constant 1 : i32
    %mul3A_0 = arith.muli %arg0, %mul3A : i32
    %add3A = arith.addi %mul3A_0, %arg1 : i32
    %c0_i32 = arith.constant 0 : i32
    %c0_i32_1 = arith.constant 0 : i32
    return %add3A, %c0_i32 : i32, i32
  }
}

</mosaic_0001>

<sc_bundles>
// kernel: kernel.4.cloned.1.call-start
scs
__scs_entry_jumppad:
0x0: {  	(pc) =	sbr.rel $0x88, $3  }
0x1: {  	(tag) =	ssettag $0x0;
	lr =	simm.s32 $0x1  }
0x2: {  	[smem:$0x3F9A] =	sst lr;
	_ =	strace $0xD0000000  }
0x3: {  	_ = 	snop  }
0x4: {  	_ = 	snop  }
0x5: {  	_ = 	snop  }
0x6: {  	_ = 	snop  }
0x7: {  	_ = 	snop  }
__scs_overlays_trampoline_lowered:
0x8: {  	[smem:$0x3FA9] =	sst s0  }
0x9: {  	[smem:$0x3FAA] =	sst s1  }
0xa: {  	[smem:$0x3FAB] =	sst s2  }
0xb: {  	[smem:$0x3FAC] =	sst s3  }
0xc: {  	[smem:$0x3FAD] =	sst s4  }
0xd: {  	[smem:$0x3FAE] =	sst s5  }
0xe: {  	[smem:$0x3FAF] =	sst s6  }
0xf: {  	[smem:$0x3FB0] =	sst s7  }
0x10: {  	[smem:$0x3FB1] =	sst s8  }
0x11: {  	[smem:$0x3FB2] =	sst s9;
	s0 =	simm.s32 @!p0 $0x0  }
0x12: {  	s1 =	sld [smem:$0x3F98];
	s0 =	simm.s32 @p0 $0x1  }
0x13: {  	[smem:$0x3FB3] =	sst s0;
	s0 =	simm.s32 @!p1 $0x0  }
0x14: {  	s2 =	sld [smem:$0x3F97];
	s0 =	simm.s32 @p1 $0x1  }
0x15: {  	[smem:$0x3FB4] =	sst s0;
	s0 =	simm.s32 @!p2 $0x0  }
0x16: {  	s3 =	sld [smem:$0x3FDB];
	s0 =	simm.s32 @p2 $0x1  }
0x17: {  	s4 =	simm.s32 $0x1BF5;
	[smem:$0x3FB6] =	sst s0  }
0x18: {  	s0 =	sld [smem:$0x3F99];
	_ =	swait.ge [sflag:s4], $0x0  }
0x19: {  	s7 =	sld [smem:$0x3F9A]  }
0x1a: {  	s8 =	sadd.s32 $0xFFFFE003, lr  }
0x1b: {  	s9 =	sadd.s32 $0xFFFFFEF7, lr;
	s5 =	simm.s32 $0xFFFFFFFF;
	p2 =	slt.u32 s8, $0xFFFFF086  }
0x1c: {  	p1 =	slt.u32 s9, $0xF7A;
	s5 =	simm.s32 @!p2 $0x0  }
0x1d: {  	s5 =	simm.s32 @p1 $0x1;
	p0 =	seq.s32 s7, s2  }
0x1e: {  	s7 =	smul.u32 @!p0 $0xF7A, s2;
	p2 =	seq.s32 @!p0 s5, $0x0  }
0x1f: {  	s9 =	smul.u32 $0xF7A, s1;
	s8 =	simm.s32 @!p0 $0x1BF5;
	p2 =	por !p2, p0  }
0x20: {  	[sflag:s8] =	ssyncset.s32 @!p0 $0xFFFFF086;
	s6 =	sadd.s32 @!p0 s3, s7;
	s7 =	simm.s32 @!p0 $0x108  }
0x21: {  	s3 =	sadd.s32 s3, s9;
	s6 =	sadd.s32 @!p0 $0x88, s6;
	s7 =	simm.s32 @p2 $0x1082  }
0x22: {  	[simem:s7], [sflag:s8] =	dma.local @!p0 [hbm:s6], $0xF7A  }
0x23: {  	s9 =	sor.u32 $0xD0000000, s2;
	s6 =	simm.s32 $0x108;
	_ =	swait.ge @!p0 [sflag:s8], $0x0  }
0x24: {  	s3 =	sadd.s32 $0x88, s3;
	s6 =	simm.s32 @!p1 $0x1082;
	[sflag:s4] =	ssyncset.s32 $0xFFFFF086  }
0x25: {  	[simem:s6], [sflag:s4] =	dma.local [hbm:s3], $0xF7A  }
0x26: {  	[smem:$0x3F9A] =	sst s1;
	(tag) =	ssettag s2;
	_ =	strace s9  }
0x27: {  	s1 =	sld [smem:$0x3FAA]  }
0x28: {  	s2 =	sld [smem:$0x3FAB]  }
0x29: {  	s4 =	sld [smem:$0x3FAD]  }
0x2a: {  	p0 =	seq.s32 s5, $0x0;
	s5 =	sld [smem:$0x3FAE]  }
0x2b: {  	s6 =	sld [smem:$0x3FAF]  }
0x2c: {  	s7 =	sld [smem:$0x3FB0]  }
0x2d: {  	s3 =	simm.s32 $0x108;
	s8 =	sld [smem:$0x3FB1]  }
0x2e: {  	s3 =	simm.s32 @!p0 $0x1082;
	s9 =	sld [smem:$0x3FB2]  }
0x2f: {  	lr =	sadd.s32 s0, s3;
	s0 =	sld [smem:$0x3FA9]  }
0x30: {  	s3 =	sld [smem:$0x3FAC]  }
0x31: {  	[smem:$0x3FB5] =	sst s10  }
0x32: {  	s10 =	sld [smem:$0x3FB3];
	_ =	sdelay $0x3  }
0x33: {  	p0 =	seq.s32 s10, $0x1;
	s10 =	sld [smem:$0x3FB5];
	_ =	sdelay $0x3  }
0x34: {  	[smem:$0x3FB5] =	sst s10  }
0x35: {  	s10 =	sld [smem:$0x3FB4];
	_ =	sdelay $0x3  }
0x36: {  	p1 =	seq.s32 s10, $0x1;
	s10 =	sld [smem:$0x3FB5];
	_ =	sdelay $0x3  }
0x37: {  	[smem:$0x3FB5] =	sst s10  }
0x38: {  	s10 =	sld [smem:$0x3FB6]  }
0x39: {  	_ = 	snop;
	(pc) =	sbr.ind lr, $3  }
0x3a: {  	_ = 	snop  }
0x3b: {  	_ = 	snop  }
0x3c: {  	p2 =	seq.s32 s10, $0x1;
	s10 =	sld [smem:$0x3FB5]  }
0x3d: {  	_ =	shalt  }
0x3e: {  	_ =	shalt  }
0x3f: {  	_ =	shalt  }
0x40: {  	_ =	shalt  }
0x41: {  	_ =	shalt  }
0x42: {  	_ =	shalt  }
0x43: {  	_ =	shalt  }
0x44: {  	_ =	shalt  }
0x45: {  	_ =	shalt  }
0x46: {  	_ =	shalt  }
0x47: {  	_ =	shalt  }
0x48: {  	_ =	shalt  }
0x49: {  	_ =	shalt  }
0x4a: {  	_ =	shalt  }
0x4b: {  	_ =	shalt  }
0x4c: {  	_ =	shalt  }
0x4d: {  	_ =	shalt  }
0x4e: {  	_ =	shalt  }
0x4f: {  	_ =	shalt  }
0x50: {  	_ =	shalt  }
0x51: {  	_ =	shalt  }
0x52: {  	_ =	shalt  }
0x53: {  	_ =	shalt  }
0x54: {  	_ =	shalt  }
0x55: {  	_ =	shalt  }
0x56: {  	_ =	shalt  }
0x57: {  	_ =	shalt  }
0x58: {  	_ =	shalt  }
0x59: {  	_ =	shalt  }
0x5a: {  	_ =	shalt  }
0x5b: {  	_ =	shalt  }
0x5c: {  	_ =	shalt  }
0x5d: {  	_ =	shalt  }
0x5e: {  	_ =	shalt  }
0x5f: {  	_ =	shalt  }
0x60: {  	_ =	shalt  }
0x61: {  	_ =	shalt  }
0x62: {  	_ =	shalt  }
0x63: {  	_ =	shalt  }
0x64: {  	_ =	shalt  }
0x65: {  	_ =	shalt  }
0x66: {  	_ =	shalt  }
0x67: {  	_ =	shalt  }
0x68: {  	_ =	shalt  }
0x69: {  	_ =	shalt  }
0x6a: {  	_ =	shalt  }
0x6b: {  	_ =	shalt  }
0x6c: {  	_ =	shalt  }
0x6d: {  	_ =	shalt  }
0x6e: {  	_ =	shalt  }
0x6f: {  	_ =	shalt  }
0x70: {  	_ =	shalt  }
0x71: {  	_ =	shalt  }
0x72: {  	_ =	shalt  }
0x73: {  	_ =	shalt  }
0x74: {  	_ =	shalt  }
0x75: {  	_ =	shalt  }
0x76: {  	_ =	shalt  }
0x77: {  	_ =	shalt  }
0x78: {  	_ =	shalt  }
0x79: {  	_ =	shalt  }
0x7a: {  	_ =	shalt  }
0x7b: {  	_ =	shalt  }
0x7c: {  	_ =	shalt  }
0x7d: {  	_ =	shalt  }
0x7e: {  	_ =	shalt  }
0x7f: {  	_ =	shalt  }
0x80: {  	_ =	shalt  }
0x81: {  	_ =	shalt  }
0x82: {  	_ =	shalt  }
0x83: {  	_ =	shalt  }
0x84: {  	_ =	shalt  }
0x85: {  	_ =	shalt  }
0x86: {  	_ =	shalt  }
0x87: {  	_ =	shalt  }
.Lfunc_end0:
.L_simem_size_0:
called_computation_lowered:
.L_overlay_start_0:
0x88: {  	s2 =	sld [smem:$0x3FD9]  }
0x89: {  	s3 =	sld [smem:$0x3FFE];
	_ =	sdelay $0x1  }
0x8a: {  	s1 =	srdreg.scid  }
0x8b: {  	s0 =	sand.u32 $0x1, s1  }
0x8c: {  	s18 =	sshll.u32 s0, $0xA;
	s2 =	sadd.s32 s3, s2  }
0x8d: {  	s2 =	sadd.s32 s2, s18  }
0x8e: {  	[smem:$0x3FC1] =	sst s2  }
0x8f: {  	_ = 	snop  }
0x90: {  	s2 =	sld [smem:$0x3FC9]  }
0x91: {  	s19 =	sld [smem:$0x3FC7]  }
0x92: {  	s4 =	sld [smem:$0x3FD0];
	(tm) =	ssettm $0x1  }
0x93: {  	s5 =	sld [smem:$0x3FFB];
	_ =	sdelay $0x3  }
0x94: {  	_ =	strace s5  }
0x95: {  	s5 =	sld [smem:$0x3FFC];
	_ =	sdelay $0x3  }
0x96: {  	_ =	strace s5  }
0x97: {  	s5 =	sld [smem:$0x3FFD];
	_ =	sdelay $0x3  }
0x98: {  	_ =	strace s5  }
0x99: {  	_ =	strace $0x8FFFFFFF  }
0x9a: {  	s20 =	sld [smem:$0x3FDB];
	_ =	sdelay $0x1  }
0x9b: {  	s6 =	simm.s32 $_scs_section_size  }
0x9c: {  	s7 =	simm.s32 $_size__tile_overlayer_lowered;
	s8 =	simm.s32 $_tile_overlayer_lowered  }
0x9d: {  	s23 =	simm.s32 $0x1BFF;
	s22 =	sshll.u32 s8, $0x1;
	s5 =	sadd.s32 s6, s20  }
0x9e: {  	s9 =	simm.s32 $0x0;
	s21 =	sshll.u32 s7, $0x1;
	s7 =	sadd.s32 s22, s5  }
0x9f: {  	[timem:s9], [sflag:s23] =	dma.local [hbm:s7], s21  }
0xa0: {  	_ =	swait.ge [sflag:s23], s21  }
0xa1: {  	s6 =	ssub.s32 $0x0, s21;
	[sflag:s23] =	ssyncset.done $0x0  }
0xa2: {  	[sflag:s23] =	ssyncadd.s32 s6;
	_ =	sdelay $0x1  }
0xa3: {  	s24 =	simm.s32 $0x1B8B  }
0xa4: {  	_ =	swait.ge [sflag:s24], $0x1  }
0xa5: {  	[sflag:s24] =	ssyncset.done $0x0  }
0xa6: {  	s25 =	simm.s32 $0x1B8E;
	[sflag:s24] =	ssyncadd.s32 $0xFFFFFFFF  }
0xa7: {  	s26 =	simm.s32 $execute0_lowered;
	[smem:$0x3FD2] =	sst s25  }
0xa8: {  	s6 =	sshll.u32 s26, $0x1;
	_ =	strace $0x80000046;
	[dreg:$0x1] =	wrdreg $0xFFFFFFFF  }
0xa9: {  	s28 =	simm.s32 $_size_execute0_lowered;
	s5 =	sadd.s32 s5, s6;
	[dreg:$0x0] =	wrdreg $0x0  }
0xaa: {  	s6 =	sshll.u32 s28, $0x1;
	[dreg:$0x2] =	wrdreg s5  }
0xab: {  	[dreg:$0x3] =	wrdreg s6  }
0xac: {  	[dreg:$0x4] =	wrdreg $0xC0  }
0xad: {  	_ =	task [dreg:s9], $0x5FFFF  }
0xae: {  	[dreg:$0x1] =	wrdreg $0xFFFFFFFF  }
0xaf: {  	[dreg:$0x0] =	wrdreg $0x60  }
0xb0: {  	[dreg:$0x2] =	wrdreg s19  }
0xb1: {  	[dreg:$0x3] =	wrdreg s2  }
0xb2: {  	[dreg:$0x4] =	wrdreg s4  }
0xb3: {  	[dreg:$0x5] =	wrdreg $0x9  }
0xb4: {  	_ =	task.clear_ibuf [dreg:s9], $0x6FFFF;
	_ =	strace $0x90000046  }
0xb5: {  	s29 =	simm.s32 $0x9;
	_ =	strace $0x8000004F  }
0xb6: {  	_ =	swait.ge [sflag:s29], $0x1  }
0xb7: {  	[sflag:s29] =	ssyncadd.s32 $0xFFFFFFFF  }
0xb8: {  	_ =	strace $0x9000004F  }
0xb9: {  	_ =	sfence  }
0xba: {  	s30 =	sld [smem:$0x0];
	_ =	sdelay $0x2  }
0xbb: {  	s31 =	sshll.u32 s1, $0xD;
	s1 =	sshrl.u32 s1, $0x2  }
0xbc: {  	s3 =	sand.u32 $0x4000, s31;
	s1 =	sadd.s32 s1, s30  }
0xbd: {  	s0 =	sor.u32 s3, s0;
	s1 =	sshll.u32 s1, $0x11  }
0xbe: {  	s0 =	sor.u32 s1, s0  }
0xbf: {  	s0 =	sadd.s32 $0x8F2B, s0  }
0xc0: {  	[sflag:s0] =	ssyncadd.remote.s32 $0x1  }
0xc1: {  	_ =	sfence.sel $0xFFFF  }
0xc2: {  	[dreg:$0x0] =	wrdreg $0xFFFFFFFF;
	(pc) =	sbr.abs _section_cstart, $3  }
0xc3: {  	[dreg:$0x1] =	wrdreg $0xFFFFFFFF  }
0xc4: {  	_ =	task.clear_ibuf [dreg:s9], $0x2FFFF;
	_ =	strace $0x9FFFFFFF  }
0xc5: {  	(tm) =	ssettm $0x7FFFFFFF  }
tec
execute0_lowered:
.L_overlay_start_1:
0x0: {  	(tag) =	ssettag $0x1  }
0x1: {  	s1 =	srdreg.scid  }
0x2: {  	s0 =	stileid.u32;
	s7 =	sand.u32 $0x1, s1  }
0x3: {  	s2 =	sshll.u32 s0, $0x1;
	s1 =	sshll.u32 s7, $0x5  }
0x4: {  	s8 =	sand.u32 $0xE, s2;
	s1 =	sor.u32 s2, s1  }
0x5: {  	s4 =	rddreg [dreg:$0x1];
	p1 =	sne.s32 s8, $0x0;
	p0 =	seq.s32 s1, $0x0  }
0x6: {  	s3 =	simm.s32 $0x1;
	s5 =	rddreg [dreg:$0x2];
	p0 =	por !p0, !p1  }
0x7: {  	s11 =	simm.s32 $0x4;
	s12 =	simm.s32 $0x0;
	p0 =	por !p0, !p0  }
0x8: {  	s7 =	ssub.s32 $0x2, s7;
	s6 =	sshrl.u32 s1, $0x4;
	s3 =	simm.s32 @!p0 $0x0  }
0x9: {  	s2 =	rddreg [dreg:$0x0];
	s8 =	sshll.u32 s8, $0x9;
	s9 =	ssub.s32 s6, s3  }
0xa: {  	s29 =	sshrl.u32 s7, $0x1;
	s3 =	rddreg [dreg:$0x3];
	s10 =	sshll.u32 s9, $0xB  }
.Ltmp0:
0xb: {  	s9 =	sshll.u32 s9, $0x7;
	s10 =	sand.u32 $0xFFFFE000, s10;
	(pc) =	sbr.rel .LBB2_1-.Ltmp0, $4  }
0xc: {  	s6 =	simm.s32 $0x0;
	s9 =	sand.u32 $0x180, s9;
	s8 =	sor.u32 s8, s10  }
0xd: {  	s30 =	ssub.s32 s7, s29;
	[smem:$0x7FF] =	sst s6;
	s8 =	sor.u32 s9, s8  }
0xe: {  	_ =	strace $0x80000047;
	s10 =	simm.s32 $0x5;
	s31 =	sshrl.u32 s8, $0x3  }
0xf: {  	s9 =	simm.s32 $0x80;
	s8 =	smax.u32 s30, $0x1;
	s7 =	sadd.s32 s4, s31  }
.LBB2_4:
0x10: {  	s13 =	sand.u32 $0x1, s13  }
0x11: {  	_ =	strace $0x8000004D;
	s13 =	sadd.s32 $0x3, s13  }
0x12: {  	_ =	swait.ge [sflag:s13], $0x4000  }
0x13: {  	[sflag:s13] =	ssyncset.done $0x0  }
0x14: {  	s12 =	sadd.s32 $0x1, s12;
	[sflag:s13] =	ssyncadd.s32 $0xFFFFC000  }
0x15: {  	p0 =	sne.s32 s12, s8;
	_ =	strace $0x9000004D  }
.Ltmp1:
0x16: {  	_ =	strace $0x8000004E;
	(pc) =	sbr.rel @!p0 .LBB2_5-.Ltmp1, $4  }
0x17: {  	_ =	swait.ge [sflag:s11], $0x4000  }
0x18: {  	[sflag:s11] =	ssyncset.done $0x0  }
0x19: {  	[sflag:s11] =	ssyncadd.s32 $0xFFFFC000  }
0x1a: {  	_ =	strace $0x9000004E  }
.LBB2_1:
0x1b: {  	_ =	strace $0x80000048  }
0x1c: {  	p0 =	por $0x0, $0x0;
	p1 =	por $0x1, $0x1;
	s14 =	simm.s32 $0x0  }
0x1d: {  	s13 =	simm.s32 $0x0;
	s18 =	simm.s32 $0x0;
	s15 =	simm.s32 $0x0  }
0x1e: {  	[tilespmem:s6], [sflag:$0x1] =	stream.linear.gather [hbm4b:s7+s6], $0x80, $0x200038;
	[tilespmem:$0x8100] =	vst v63  }
0x1f: {  	s16 =	simm.s32 $0x1;
	s17 =	simm.s32 $0x0;
	_ =	strace $0x90000048  }
.LBB2_2:
0x20: {  	s20 =	smov.u32 s14;
	s14 =	sadd.s32 $0x1, s14  }
0x21: {  	p2 =	seq.s32 s14, $0x2  }
0x22: {  	s19 =	sadd.s32 s1, s20;
	s14 =	simm.s32 @p2 $0x0  }
0x23: {  	s22 =	sshra.s32 s19, $0x1F;
	s21 =	sadd.s32 s1, s14  }
0x24: {  	s22 =	sshrl.u32 s22, $0x1C;
	s23 =	sshra.s32 s21, $0x1F  }
0x25: {  	s22 =	sadd.s32 s22, s19;
	s23 =	sshrl.u32 s23, $0x1C  }
0x26: {  	s24 =	sshra.s32 s22, $0x4;
	s22 =	sand.u32 $0xFFFFFFF0, s22;
	s23 =	sadd.s32 s23, s21  }
0x27: {  	p5 =	slt.s32 s19, $0x1;
	p3 =	sne.s32 s19, s22;
	s30 =	sand.u32 $0xFFFFFFF0, s23  }
0x28: {  	p6 =	slt.s32 s21, $0x1;
	p2 =	por !p5, !p3;
	p4 =	sne.s32 s21, s30  }
0x29: {  	s22 =	simm.s32 $0x1;
	p2 =	por !p2, !p2;
	p3 =	por !p6, !p4  }
0x2a: {  	s25 =	simm.s32 $0x1;
	s22 =	simm.s32 @!p2 $0x0;
	p2 =	por !p3, !p3  }
0x2b: {  	s31 =	sand.u32 $0xF, s19;
	s23 =	sshra.s32 s23, $0x4;
	s25 =	simm.s32 @!p2 $0x0  }
0x2c: {  	s21 =	sand.u32 $0xF, s21;
	s22 =	ssub.s32 s24, s22;
	s23 =	ssub.s32 s23, s25  }
0x2d: {  	p5 =	sne.s32 s31, s21;
	p4 =	sne.s32 s22, s23  }
0x2e: {  	p2 =	por p5, p4  }
0x2f: {  	p3 =	por !p1, !p2  }
0x30: {  	p3 =	por !p3, !p3  }
0x31: {  	s25 =	sadd.s32 $0xFFFFFFFF, s20;
	p4 =	seq.s32 s20, $0x0;
	s26 =	sshll.u32 @p3 s23, $0xB  }
0x32: {  	s21 =	sshll.u32 @p3 s21, $0x9;
	s23 =	sshll.u32 @p3 s23, $0x7;
	s26 =	sand.u32 @p3 $0xFFFFE000, s26  }
0x33: {  	s25 =	simm.s32 @p4 $0x1;
	s23 =	sand.u32 @p3 $0x180, s23;
	s21 =	sor.u32 @p3 s21, s26  }
0x34: {  	s25 =	sadd.s32 s1, s25;
	_ =	strace @p3 $0x80000049;
	s21 =	sor.u32 @p3 s23, s21  }
0x35: {  	s28 =	simm.s32 @p3 $0x0;
	s23 =	sand.u32 @p3 $0x1, s16;
	s21 =	sshrl.u32 @p3 s21, $0x3  }
0x36: {  	s26 =	sshll.u32 @p3 s23, $0x7;
	s23 =	sadd.s32 @p3 $0x1, s23;
	s21 =	sadd.s32 @p3 s4, s21  }
0x37: {  	[tilespmem:s26], [sflag:s23] =	stream.linear.gather @p3 [hbm4b:s21+s28], $0x80, $0x200038;
	[tilespmem:$0x8100] =	vst v63  }
0x38: {  	s26 =	sshra.s32 s25, $0x1F  }
0x39: {  	s21 =	sshrl.u32 s26, $0x1C  }
0x3a: {  	s21 =	sadd.s32 s21, s25  }
0x3b: {  	s28 =	sand.u32 $0xFFFFFFF0, s21  }
0x3c: {  	p6 =	slt.s32 s25, $0x1;
	p5 =	sne.s32 s25, s28  }
0x3d: {  	p4 =	por !p6, !p5  }
0x3e: {  	s23 =	simm.s32 $0x1;
	p4 =	por !p4, !p4  }
0x3f: {  	s21 =	sshra.s32 s21, $0x4;
	s23 =	simm.s32 @!p4 $0x0  }
0x40: {  	s29 =	sand.u32 $0xF, s25;
	s21 =	ssub.s32 s21, s23  }
0x41: {  	p6 =	sne.s32 s31, s29;
	p5 =	sne.s32 s22, s21  }
0x42: {  	p4 =	por p6, p5  }
0x43: {  	p4 =	por p1, p4  }
0x44: {  	_ =	strace @p3 $0x90000049;
	s21 =	sand.u32 @p4 $0x1, s15  }
0x45: {  	_ =	strace @p4 $0x8000004A;
	s21 =	sadd.s32 @p4 $0x1, s21  }
0x46: {  	s31 =	sshll.u32 s15, $0x7;
	_ =	swait.ge @p4 [sflag:s21], $0x80  }
0x47: {  	s23 =	sand.u32 $0x80, s31;
	[sflag:s21] =	ssyncset.done @p4 $0x0  }
0x48: {  	p5 =	seq.s32 s20, s14;
	[sflag:s21] =	ssyncadd.s32 @p4 $0xFFFFFF80;
	s21 =	sand.u32 $0x1, s18  }
0x49: {  	p6 =	por !p0, !p0;
	_ =	strace @p4 $0x9000004A;
	s30 =	sshll.u32 s21, $0xE  }
0x4a: {  	p4 =	por !p6, !p5;
	_ =	strace $0x8000004B;
	s22 =	sor.u32 $0x100, s30  }
0x4b: {  	[tilespmem:s22], [sflag:$0x5] =	stream.indirect.gather [hbm4b:s2+s9], $0x80, s23, s9, $0x2000b8;
	[tilespmem:$0x8100] =	vst v63  }
0x4c: {  	p4 =	por !p4, !p4;
	_ =	swait.ge [sflag:s10], $0x4000  }
0x4d: {  	p1 =	por p4, p1;
	[sflag:s10] =	ssyncset.done $0x0  }
.Ltmp2:
0x4e: {  	s19 =	sshll.u32 @!p4 s19, $0xB;
	[sflag:s10] =	ssyncadd.s32 $0xFFFFC000;
	(pc) =	sbr.rel @!p1 .LBB2_4-.Ltmp2, $4  }
0x4f: {  	s20 =	sadd.s32 @!p4 $0x3, s21;
	s19 =	sand.u32 @!p4 $0x1FFFF800, s19;
	_ =	strace $0x9000004B  }
0x50: {  	s21 =	simm.s32 @!p4 $0x0;
	s19 =	sadd.s32 @!p4 s5, s19;
	_ =	strace @!p4 $0x8000004C  }
0x51: {  	[hbm4b:s19+s21] =	stream.linear.scatter @!p4 [tilespmem:s22], [sflag:s20], $0x4000, $0x200038;
	[tilespmem:$0x8100] =	vst v63  }
0x52: {  	_ =	strace @!p4 $0x9000004C  }
.Ltmp3:
0x53: {  	s19 =	simm.s32 $0x1;
	p0 =	por p0, p2;
	(pc) =	sbr.rel .LBB2_2-.Ltmp3, $4  }
0x54: {  	s20 =	simm.s32 $0x1;
	s13 =	sadd.s32 s17, s13;
	s19 =	simm.s32 @!p3 $0x0  }
0x55: {  	s17 =	simm.s32 $0x1;
	s16 =	sadd.s32 s19, s16;
	s19 =	sadd.s32 @!p4 $0x1, s18  }
0x56: {  	p1 =	por $0x0, $0x0;
	s20 =	simm.s32 @!p0 $0x0;
	s19 =	smov.u32 @p4 s18  }
0x57: {  	p0 =	por $0x1, $0x1;
	s15 =	sadd.s32 s20, s15;
	s18 =	smov.u32 s19  }
.LBB2_5:
0x58: {  	_ =	sfence.sel $0x180000  }
0x59: {  	[bflag:$0x0] =	sbarrier.arrive $0xFFFF  }
0x5a: {  	p0 =	sne.s32 s0, $0x0;
	_ =	strace $0x90000047  }
0x5b: {  	s0 =	sadd.s32 @!p0 $0x100000, s3;
	[bflag:$0x2] =	sbarrier.arrive $0xFFFF  }
0x5c: {  	[sflag:s0] =	ssyncadd.tile.s32 @!p0 $0x1;
	_ =	shalt  }
.Lfunc_end2:
_tile_overlayer_lowered:
.L_overlay_start_2:
0x5d: {  	(tag) =	ssettag $0x2  }
0x5e: {  	s0 =	rddreg [dreg:$0x0];
	s2 =	stileid.u32  }
0x5f: {  	s1 =	rddreg [dreg:$0x1];
	p0 =	sne.s32 s2, $0x0  }
0x60: {  	s3 =	rddreg [dreg:$0x2];
	[bflag:$0x3] =	sbarrier.arrive $0xFFFF;
	s2 =	simm.s32 @!p0 $0x1C01  }
0x61: {  	[timem:s3], [sflag:s2] =	dma.local @!p0 [hbm:s0], s1  }
0x62: {  	s0 =	simm.s32 @!p0 $0x1  }
0x63: {  	_ =	swait.ge @!p0 [sflag:s0], s1  }
0x64: {  	s1 =	ssub.s32 @!p0 $0x0, s1;
	[sflag:s0] =	ssyncset.done @!p0 $0x0  }
0x65: {  	[sflag:s0] =	ssyncadd.s32 @!p0 s1  }
0x66: {  	[bflag:$0x3] =	sbarrier.arrive $0xFFFF  }
0x67: {  	_ =	shalt  }

</sc_bundles>
